<compile_context>
chip_gen: v7x
topology: tpu7x:2x2x1
jax: 0.10.2.dev20260603
libtpu: 0.0.44.dev20260713+nightly
codegen_flags: <defaults>
</compile_context>

<pallas_src>
import functools

import jax
import jax.numpy as jnp
from jax import lax
from jax.experimental import pallas as pl
from jax.experimental.pallas import tpu as pltpu
from jax.experimental.pallas import tpu_sc as plsc

NC, NS = 2, 16
NW = NC * NS
BATCH, HIST = 4096, 200
B = BATCH * HIST
D = 128
BPW = B // NW
CHUNK = 128
NCHUNK = BPW // CHUNK
NBUF = 5
PF = 4

assert NCHUNK % NBUF == 0 and PF < NBUF

_mesh = plsc.VectorSubcoreMesh(core_axis_name="c", subcore_axis_name="s")


@functools.partial(
    pl.kernel,
    out_type=jax.ShapeDtypeStruct((B, D), jnp.float32),
    mesh=_mesh,
    scratch_types=[
        pltpu.VMEM((NCHUNK, CHUNK), jnp.int32),
        [pltpu.VMEM((CHUNK, D), jnp.float32) for _ in range(NBUF)],
        [pltpu.SemaphoreType.DMA for _ in range(NBUF)],
        [pltpu.SemaphoreType.DMA for _ in range(NBUF)],
    ],
)
def _gather_kernel(table_hbm, idx_hbm, out_hbm, idx_v, bufs, gsems, osems):
    wid = lax.axis_index("s") * NC + lax.axis_index("c")
    base = wid * BPW
    pltpu.sync_copy(idx_hbm.at[wid], idx_v)

    def start_gather(j, b):
        pltpu.async_copy(table_hbm.at[idx_v.at[j]], bufs[b], gsems[b])

    def wait_gather(j, b):
        pltpu.make_async_copy(table_hbm.at[idx_v.at[j]], bufs[b], gsems[b]).wait()

    def start_out(j, b):
        pltpu.async_copy(bufs[b], out_hbm.at[pl.ds(base + j * CHUNK, CHUNK)],
                         osems[b])

    def wait_out(j, b):
        pltpu.make_async_copy(bufs[b], out_hbm.at[pl.ds(base + j * CHUNK, CHUNK)],
                              osems[b]).wait()

    for b in range(PF):
        start_gather(b, b)

    for b in range(NBUF):
        j = b
        wait_gather(j, b)
        start_out(j, b)
        k = j + PF
        if k < NBUF:
            start_gather(k, k)
        else:
            b2 = k % NBUF
            wait_out(k - NBUF, b2)
            start_gather(k, b2)

    @pl.loop(1, NCHUNK // NBUF - 1)
    def _group(g):
        for b in range(NBUF):
            j = g * NBUF + b
            b2 = (b + PF) % NBUF
            wait_gather(j, b)
            start_out(j, b)
            wait_out(j + PF - NBUF, b2)
            start_gather(j + PF, b2)

    for b in range(NBUF):
        j = NCHUNK - NBUF + b
        b2 = (b + PF) % NBUF
        wait_gather(j, b)
        start_out(j, b)
        k = j + PF
        if k < NCHUNK:
            wait_out(k - NBUF, b2)
            start_gather(k, b2)

    for b in range(NBUF):
        wait_out(NCHUNK - NBUF + b, b)


def kernel(token_ids, weight):
    idx = token_ids.reshape(NW, NCHUNK, CHUNK).astype(jnp.int32)
    out = _gather_kernel(weight, idx)
    return out.reshape(token_ids.shape + (D,))

# --- scband reference (transcript-rebuilt; emitter-appended) ---
"""Pipeline reference for scband-embedding-14894946583166 (READ-ONLY COPY).

The authoritative reference and input builder live on the scoring server;
editing this copy changes nothing except your own understanding.
"""

import jax, jax.numpy as jnp
import numpy as np

NUM_EMBEDDINGS = 100000
EMBEDDING_DIM = 128
BATCH = 4096
HIST_LEN = 200


def setup_inputs(seed: int = 0) -> dict:
    key = jax.random.key(seed)
    k_idx, k_w = jax.random.split(key)
    token_ids = jax.random.randint(k_idx, (BATCH, HIST_LEN), 0, NUM_EMBEDDINGS, dtype=jnp.int64 if jax.config.jax_enable_x64 else jnp.int32)
    # trunc_normal_(mean=0, std=1, a=-3, b=3)
    weight = jax.random.truncated_normal(k_w, -3.0, 3.0, (NUM_EMBEDDINGS, EMBEDDING_DIM), dtype=jnp.float32)
    return {"token_ids": token_ids, "weight": weight}


def reference(token_ids, weight):
    # Faithful translation of: return self.weight[token_ids]
    return jnp.take(weight, token_ids, axis=0)

if __name__ == "__main__":
    import jax
    _d = setup_inputs()
    print(jax.jit(kernel)(*tuple(_d.values())))

</pallas_src>

<mosaic_0001>
#map = affine_map<(d0, d1) -> (0, 0)>
#map1 = affine_map<(d0, d1) -> (0, 0, 0)>
module attributes {stable_mosaic.version = 14 : i64} {
  func.func @_gather_kernel(%arg0: i32, %arg1: i32, %arg2: memref<100000x128xf32, #tpu.memory_space<hbm>>, %arg3: memref<32x200x128xi32, #tpu.memory_space<hbm>>, %arg4: memref<819200x128xf32, #tpu.memory_space<hbm>>, %arg5: memref<200x128xi32, #tpu.memory_space<vmem>>, %arg6: memref<128x128xf32, #tpu.memory_space<vmem>>, %arg7: memref<128x128xf32, #tpu.memory_space<vmem>>, %arg8: memref<128x128xf32, #tpu.memory_space<vmem>>, %arg9: memref<128x128xf32, #tpu.memory_space<vmem>>, %arg10: memref<128x128xf32, #tpu.memory_space<vmem>>, %arg11: memref<!tpu.dma_semaphore, #tpu.memory_space<semaphore_mem>>, %arg12: memref<!tpu.dma_semaphore, #tpu.memory_space<semaphore_mem>>, %arg13: memref<!tpu.dma_semaphore, #tpu.memory_space<semaphore_mem>>, %arg14: memref<!tpu.dma_semaphore, #tpu.memory_space<semaphore_mem>>, %arg15: memref<!tpu.dma_semaphore, #tpu.memory_space<semaphore_mem>>, %arg16: memref<!tpu.dma_semaphore, #tpu.memory_space<semaphore_mem>>, %arg17: memref<!tpu.dma_semaphore, #tpu.memory_space<semaphore_mem>>, %arg18: memref<!tpu.dma_semaphore, #tpu.memory_space<semaphore_mem>>, %arg19: memref<!tpu.dma_semaphore, #tpu.memory_space<semaphore_mem>>, %arg20: memref<!tpu.dma_semaphore, #tpu.memory_space<semaphore_mem>>) attributes {dimension_semantics = [#tpu.dimension_semantics<core_parallel>, #tpu.dimension_semantics<subcore_parallel>], iteration_bounds = array<i64: 2, 16>, scalar_prefetch = 0 : i64, scratch_operands = 16 : i64, tpu.core_type = #tpu.core_type<sc_vector_subcore>, window_params = [{transform_indices = #map}, {transform_indices = #map1}, {transform_indices = #map}]} {
    %mul3A = arith.constant 2 : i32
    %mul3A_0 = arith.muli %arg1, %mul3A : i32
    %add3A = arith.addi %mul3A_0, %arg0 : i32
    %mul3A_1 = arith.constant 25600 : i32
    %mul3A_2 = arith.muli %add3A, %mul3A_1 : i32
    "tpu.region"() ({
      %run_scoped3A = tpu.sem_alloc : memref<!tpu.dma_semaphore, #tpu.memory_space<semaphore_mem>>
      %dma_start3A_265 = arith.constant 0 : i32
      %dma_start3A_266 = arith.constant 0 : i32
      %dma_start3A_267 = tpu.memref_slice %arg3[%add3A, %dma_start3A_265, %dma_start3A_266] : memref<32x200x128xi32, #tpu.memory_space<hbm>> -> memref<1x200x128xi32, #tpu.memory_space<hbm>>
      %dma_start3A_268 = tpu.memref_squeeze %dma_start3A_267 : memref<1x200x128xi32, #tpu.memory_space<hbm>> -> memref<200x128xi32, #tpu.memory_space<hbm>>
      %dma_start3A_269 = arith.constant 0 : i32
      %dma_start3A_270 = arith.constant 0 : i32
      %dma_start3A_271 = tpu.memref_slice %arg3[%add3A, %dma_start3A_269, %dma_start3A_270] : memref<32x200x128xi32, #tpu.memory_space<hbm>> -> memref<1x200x128xi32, #tpu.memory_space<hbm>>
      %dma_start3A_272 = tpu.memref_squeeze %dma_start3A_271 : memref<1x200x128xi32, #tpu.memory_space<hbm>> -> memref<200x128xi32, #tpu.memory_space<hbm>>
      tpu.enqueue_dma source(%dma_start3A_272 : memref<200x128xi32, #tpu.memory_space<hbm>>) target(%arg5 : memref<200x128xi32, #tpu.memory_space<vmem>>) target_semaphore(%run_scoped3A : memref<!tpu.dma_semaphore, #tpu.memory_space<semaphore_mem>>)
      %dma_wait3A_273 = arith.constant 0 : i32
      %dma_wait3A_274 = arith.constant 0 : i32
      %dma_wait3A_275 = tpu.memref_slice %arg3[%add3A, %dma_wait3A_273, %dma_wait3A_274] : memref<32x200x128xi32, #tpu.memory_space<hbm>> -> memref<1x200x128xi32, #tpu.memory_space<hbm>>
      %dma_wait3A_276 = tpu.memref_squeeze %dma_wait3A_275 : memref<1x200x128xi32, #tpu.memory_space<hbm>> -> memref<200x128xi32, #tpu.memory_space<hbm>>
      %dma_wait3A_277 = arith.constant 0 : i32
      %dma_wait3A_278 = arith.constant 0 : i32
      %dma_wait3A_279 = tpu.memref_slice %arg3[%add3A, %dma_wait3A_277, %dma_wait3A_278] : memref<32x200x128xi32, #tpu.memory_space<hbm>> -> memref<1x200x128xi32, #tpu.memory_space<hbm>>
      %dma_wait3A_280 = tpu.memref_squeeze %dma_wait3A_279 : memref<1x200x128xi32, #tpu.memory_space<hbm>> -> memref<200x128xi32, #tpu.memory_space<hbm>>
      tpu.wait_dma2 semaphore(%run_scoped3A : memref<!tpu.dma_semaphore, #tpu.memory_space<semaphore_mem>>) src(%dma_wait3A_280 : memref<200x128xi32, #tpu.memory_space<hbm>>) dst(%arg5 : memref<200x128xi32, #tpu.memory_space<vmem>>)
      tpu.yield
    }) : () -> ()
    %dma_start3A = arith.constant 0 : i32
    %dma_start3A_3 = arith.constant 0 : i32
    %dma_start3A_4 = tpu.memref_slice %arg5[%dma_start3A, %dma_start3A_3] : memref<200x128xi32, #tpu.memory_space<vmem>> -> memref<1x128xi32, #tpu.memory_space<vmem>>
    %dma_start3A_5 = tpu.memref_squeeze %dma_start3A_4 : memref<1x128xi32, #tpu.memory_space<vmem>> -> memref<128xi32, #tpu.memory_space<vmem>>
    %dma_start3A_6 = arith.constant 0 : i32
    %dma_start3A_7 = arith.constant 0 : i32
    %dma_start3A_8 = tpu.memref_slice %arg2[%dma_start3A_6, %dma_start3A_7] : memref<100000x128xf32, #tpu.memory_space<hbm>> -> memref<100000x128xf32, #tpu.memory_space<hbm>>
    tpu.enqueue_indirect_dma source(%dma_start3A_8 : memref<100000x128xf32, #tpu.memory_space<hbm>>) target(%arg6 : memref<128x128xf32, #tpu.memory_space<vmem>>) offsets(%dma_start3A_5 : memref<128xi32, #tpu.memory_space<vmem>>) semaphore(%arg11 : memref<!tpu.dma_semaphore, #tpu.memory_space<semaphore_mem>>)
    %dma_start3A_9 = arith.constant 1 : i32
    %dma_start3A_10 = arith.constant 0 : i32
    %dma_start3A_11 = tpu.memref_slice %arg5[%dma_start3A_9, %dma_start3A_10] : memref<200x128xi32, #tpu.memory_space<vmem>> -> memref<1x128xi32, #tpu.memory_space<vmem>>
    %dma_start3A_12 = tpu.memref_squeeze %dma_start3A_11 : memref<1x128xi32, #tpu.memory_space<vmem>> -> memref<128xi32, #tpu.memory_space<vmem>>
    %dma_start3A_13 = arith.constant 0 : i32
    %dma_start3A_14 = arith.constant 0 : i32
    %dma_start3A_15 = tpu.memref_slice %arg2[%dma_start3A_13, %dma_start3A_14] : memref<100000x128xf32, #tpu.memory_space<hbm>> -> memref<100000x128xf32, #tpu.memory_space<hbm>>
    tpu.enqueue_indirect_dma source(%dma_start3A_15 : memref<100000x128xf32, #tpu.memory_space<hbm>>) target(%arg7 : memref<128x128xf32, #tpu.memory_space<vmem>>) offsets(%dma_start3A_12 : memref<128xi32, #tpu.memory_space<vmem>>) semaphore(%arg12 : memref<!tpu.dma_semaphore, #tpu.memory_space<semaphore_mem>>)
    %dma_start3A_16 = arith.constant 2 : i32
    %dma_start3A_17 = arith.constant 0 : i32
    %dma_start3A_18 = tpu.memref_slice %arg5[%dma_start3A_16, %dma_start3A_17] : memref<200x128xi32, #tpu.memory_space<vmem>> -> memref<1x128xi32, #tpu.memory_space<vmem>>
    %dma_start3A_19 = tpu.memref_squeeze %dma_start3A_18 : memref<1x128xi32, #tpu.memory_space<vmem>> -> memref<128xi32, #tpu.memory_space<vmem>>
    %dma_start3A_20 = arith.constant 0 : i32
    %dma_start3A_21 = arith.constant 0 : i32
    %dma_start3A_22 = tpu.memref_slice %arg2[%dma_start3A_20, %dma_start3A_21] : memref<100000x128xf32, #tpu.memory_space<hbm>> -> memref<100000x128xf32, #tpu.memory_space<hbm>>
    tpu.enqueue_indirect_dma source(%dma_start3A_22 : memref<100000x128xf32, #tpu.memory_space<hbm>>) target(%arg8 : memref<128x128xf32, #tpu.memory_space<vmem>>) offsets(%dma_start3A_19 : memref<128xi32, #tpu.memory_space<vmem>>) semaphore(%arg13 : memref<!tpu.dma_semaphore, #tpu.memory_space<semaphore_mem>>)
    %dma_start3A_23 = arith.constant 3 : i32
    %dma_start3A_24 = arith.constant 0 : i32
    %dma_start3A_25 = tpu.memref_slice %arg5[%dma_start3A_23, %dma_start3A_24] : memref<200x128xi32, #tpu.memory_space<vmem>> -> memref<1x128xi32, #tpu.memory_space<vmem>>
    %dma_start3A_26 = tpu.memref_squeeze %dma_start3A_25 : memref<1x128xi32, #tpu.memory_space<vmem>> -> memref<128xi32, #tpu.memory_space<vmem>>
    %dma_start3A_27 = arith.constant 0 : i32
    %dma_start3A_28 = arith.constant 0 : i32
    %dma_start3A_29 = tpu.memref_slice %arg2[%dma_start3A_27, %dma_start3A_28] : memref<100000x128xf32, #tpu.memory_space<hbm>> -> memref<100000x128xf32, #tpu.memory_space<hbm>>
    tpu.enqueue_indirect_dma source(%dma_start3A_29 : memref<100000x128xf32, #tpu.memory_space<hbm>>) target(%arg9 : memref<128x128xf32, #tpu.memory_space<vmem>>) offsets(%dma_start3A_26 : memref<128xi32, #tpu.memory_space<vmem>>) semaphore(%arg14 : memref<!tpu.dma_semaphore, #tpu.memory_space<semaphore_mem>>)
    %dma_wait3A = arith.constant 0 : i32
    %dma_wait3A_30 = arith.constant 0 : i32
    %dma_wait3A_31 = tpu.memref_slice %arg5[%dma_wait3A, %dma_wait3A_30] : memref<200x128xi32, #tpu.memory_space<vmem>> -> memref<1x128xi32, #tpu.memory_space<vmem>>
    %dma_wait3A_32 = tpu.memref_squeeze %dma_wait3A_31 : memref<1x128xi32, #tpu.memory_space<vmem>> -> memref<128xi32, #tpu.memory_space<vmem>>
    %dma_wait3A_33 = arith.constant 0 : i32
    %dma_wait3A_34 = arith.constant 0 : i32
    %dma_wait3A_35 = tpu.memref_slice %arg2[%dma_wait3A_33, %dma_wait3A_34] : memref<100000x128xf32, #tpu.memory_space<hbm>> -> memref<100000x128xf32, #tpu.memory_space<hbm>>
    tpu.wait_indirect_dma semaphore(%arg11 : memref<!tpu.dma_semaphore, #tpu.memory_space<semaphore_mem>>) src(%dma_wait3A_35 : memref<100000x128xf32, #tpu.memory_space<hbm>>) dst(%arg6 : memref<128x128xf32, #tpu.memory_space<vmem>>)
    %add3A_36 = arith.constant 0 : i32
    %add3A_37 = arith.addi %mul3A_2, %add3A_36 : i32
    %dma_start3A_38 = arith.constant 0 : i32
    %dma_start3A_39 = tpu.memref_slice %arg4[%add3A_37, %dma_start3A_38] : memref<819200x128xf32, #tpu.memory_space<hbm>> -> memref<128x128xf32, #tpu.memory_space<hbm>>
    %dma_start3A_40 = arith.constant 0 : i32
    %dma_start3A_41 = tpu.memref_slice %arg4[%add3A_37, %dma_start3A_40] : memref<819200x128xf32, #tpu.memory_space<hbm>> -> memref<128x128xf32, #tpu.memory_space<hbm>>
    tpu.enqueue_dma source(%arg6 : memref<128x128xf32, #tpu.memory_space<vmem>>) target(%dma_start3A_41 : memref<128x128xf32, #tpu.memory_space<hbm>>) target_semaphore(%arg16 : memref<!tpu.dma_semaphore, #tpu.memory_space<semaphore_mem>>)
    %dma_start3A_42 = arith.constant 4 : i32
    %dma_start3A_43 = arith.constant 0 : i32
    %dma_start3A_44 = tpu.memref_slice %arg5[%dma_start3A_42, %dma_start3A_43] : memref<200x128xi32, #tpu.memory_space<vmem>> -> memref<1x128xi32, #tpu.memory_space<vmem>>
    %dma_start3A_45 = tpu.memref_squeeze %dma_start3A_44 : memref<1x128xi32, #tpu.memory_space<vmem>> -> memref<128xi32, #tpu.memory_space<vmem>>
    %dma_start3A_46 = arith.constant 0 : i32
    %dma_start3A_47 = arith.constant 0 : i32
    %dma_start3A_48 = tpu.memref_slice %arg2[%dma_start3A_46, %dma_start3A_47] : memref<100000x128xf32, #tpu.memory_space<hbm>> -> memref<100000x128xf32, #tpu.memory_space<hbm>>
    tpu.enqueue_indirect_dma source(%dma_start3A_48 : memref<100000x128xf32, #tpu.memory_space<hbm>>) target(%arg10 : memref<128x128xf32, #tpu.memory_space<vmem>>) offsets(%dma_start3A_45 : memref<128xi32, #tpu.memory_space<vmem>>) semaphore(%arg15 : memref<!tpu.dma_semaphore, #tpu.memory_space<semaphore_mem>>)
    %dma_wait3A_49 = arith.constant 1 : i32
    %dma_wait3A_50 = arith.constant 0 : i32
    %dma_wait3A_51 = tpu.memref_slice %arg5[%dma_wait3A_49, %dma_wait3A_50] : memref<200x128xi32, #tpu.memory_space<vmem>> -> memref<1x128xi32, #tpu.memory_space<vmem>>
    %dma_wait3A_52 = tpu.memref_squeeze %dma_wait3A_51 : memref<1x128xi32, #tpu.memory_space<vmem>> -> memref<128xi32, #tpu.memory_space<vmem>>
    %dma_wait3A_53 = arith.constant 0 : i32
    %dma_wait3A_54 = arith.constant 0 : i32
    %dma_wait3A_55 = tpu.memref_slice %arg2[%dma_wait3A_53, %dma_wait3A_54] : memref<100000x128xf32, #tpu.memory_space<hbm>> -> memref<100000x128xf32, #tpu.memory_space<hbm>>
    tpu.wait_indirect_dma semaphore(%arg12 : memref<!tpu.dma_semaphore, #tpu.memory_space<semaphore_mem>>) src(%dma_wait3A_55 : memref<100000x128xf32, #tpu.memory_space<hbm>>) dst(%arg7 : memref<128x128xf32, #tpu.memory_space<vmem>>)
    %add3A_56 = arith.constant 128 : i32
    %add3A_57 = arith.addi %mul3A_2, %add3A_56 : i32
    %dma_start3A_58 = arith.constant 0 : i32
    %dma_start3A_59 = tpu.memref_slice %arg4[%add3A_57, %dma_start3A_58] : memref<819200x128xf32, #tpu.memory_space<hbm>> -> memref<128x128xf32, #tpu.memory_space<hbm>>
    %dma_start3A_60 = arith.constant 0 : i32
    %dma_start3A_61 = tpu.memref_slice %arg4[%add3A_57, %dma_start3A_60] : memref<819200x128xf32, #tpu.memory_space<hbm>> -> memref<128x128xf32, #tpu.memory_space<hbm>>
    tpu.enqueue_dma source(%arg7 : memref<128x128xf32, #tpu.memory_space<vmem>>) target(%dma_start3A_61 : memref<128x128xf32, #tpu.memory_space<hbm>>) target_semaphore(%arg17 : memref<!tpu.dma_semaphore, #tpu.memory_space<semaphore_mem>>)
    %add3A_62 = arith.constant 0 : i32
    %add3A_63 = arith.addi %mul3A_2, %add3A_62 : i32
    %dma_wait3A_64 = arith.constant 0 : i32
    %dma_wait3A_65 = tpu.memref_slice %arg4[%add3A_63, %dma_wait3A_64] : memref<819200x128xf32, #tpu.memory_space<hbm>> -> memref<128x128xf32, #tpu.memory_space<hbm>>
    %dma_wait3A_66 = arith.constant 0 : i32
    %dma_wait3A_67 = tpu.memref_slice %arg4[%add3A_63, %dma_wait3A_66] : memref<819200x128xf32, #tpu.memory_space<hbm>> -> memref<128x128xf32, #tpu.memory_space<hbm>>
    tpu.wait_dma2 semaphore(%arg16 : memref<!tpu.dma_semaphore, #tpu.memory_space<semaphore_mem>>) src(%arg6 : memref<128x128xf32, #tpu.memory_space<vmem>>) dst(%dma_wait3A_67 : memref<128x128xf32, #tpu.memory_space<hbm>>)
    %dma_start3A_68 = arith.constant 5 : i32
    %dma_start3A_69 = arith.constant 0 : i32
    %dma_start3A_70 = tpu.memref_slice %arg5[%dma_start3A_68, %dma_start3A_69] : memref<200x128xi32, #tpu.memory_space<vmem>> -> memref<1x128xi32, #tpu.memory_space<vmem>>
    %dma_start3A_71 = tpu.memref_squeeze %dma_start3A_70 : memref<1x128xi32, #tpu.memory_space<vmem>> -> memref<128xi32, #tpu.memory_space<vmem>>
    %dma_start3A_72 = arith.constant 0 : i32
    %dma_start3A_73 = arith.constant 0 : i32
    %dma_start3A_74 = tpu.memref_slice %arg2[%dma_start3A_72, %dma_start3A_73] : memref<100000x128xf32, #tpu.memory_space<hbm>> -> memref<100000x128xf32, #tpu.memory_space<hbm>>
    tpu.enqueue_indirect_dma source(%dma_start3A_74 : memref<100000x128xf32, #tpu.memory_space<hbm>>) target(%arg6 : memref<128x128xf32, #tpu.memory_space<vmem>>) offsets(%dma_start3A_71 : memref<128xi32, #tpu.memory_space<vmem>>) semaphore(%arg11 : memref<!tpu.dma_semaphore, #tpu.memory_space<semaphore_mem>>)
    %dma_wait3A_75 = arith.constant 2 : i32
    %dma_wait3A_76 = arith.constant 0 : i32
    %dma_wait3A_77 = tpu.memref_slice %arg5[%dma_wait3A_75, %dma_wait3A_76] : memref<200x128xi32, #tpu.memory_space<vmem>> -> memref<1x128xi32, #tpu.memory_space<vmem>>
    %dma_wait3A_78 = tpu.memref_squeeze %dma_wait3A_77 : memref<1x128xi32, #tpu.memory_space<vmem>> -> memref<128xi32, #tpu.memory_space<vmem>>
    %dma_wait3A_79 = arith.constant 0 : i32
    %dma_wait3A_80 = arith.constant 0 : i32
    %dma_wait3A_81 = tpu.memref_slice %arg2[%dma_wait3A_79, %dma_wait3A_80] : memref<100000x128xf32, #tpu.memory_space<hbm>> -> memref<100000x128xf32, #tpu.memory_space<hbm>>
    tpu.wait_indirect_dma semaphore(%arg13 : memref<!tpu.dma_semaphore, #tpu.memory_space<semaphore_mem>>) src(%dma_wait3A_81 : memref<100000x128xf32, #tpu.memory_space<hbm>>) dst(%arg8 : memref<128x128xf32, #tpu.memory_space<vmem>>)
    %add3A_82 = arith.constant 256 : i32
    %add3A_83 = arith.addi %mul3A_2, %add3A_82 : i32
    %dma_start3A_84 = arith.constant 0 : i32
    %dma_start3A_85 = tpu.memref_slice %arg4[%add3A_83, %dma_start3A_84] : memref<819200x128xf32, #tpu.memory_space<hbm>> -> memref<128x128xf32, #tpu.memory_space<hbm>>
    %dma_start3A_86 = arith.constant 0 : i32
    %dma_start3A_87 = tpu.memref_slice %arg4[%add3A_83, %dma_start3A_86] : memref<819200x128xf32, #tpu.memory_space<hbm>> -> memref<128x128xf32, #tpu.memory_space<hbm>>
    tpu.enqueue_dma source(%arg8 : memref<128x128xf32, #tpu.memory_space<vmem>>) target(%dma_start3A_87 : memref<128x128xf32, #tpu.memory_space<hbm>>) target_semaphore(%arg18 : memref<!tpu.dma_semaphore, #tpu.memory_space<semaphore_mem>>)
    %add3A_88 = arith.constant 128 : i32
    %add3A_89 = arith.addi %mul3A_2, %add3A_88 : i32
    %dma_wait3A_90 = arith.constant 0 : i32
    %dma_wait3A_91 = tpu.memref_slice %arg4[%add3A_89, %dma_wait3A_90] : memref<819200x128xf32, #tpu.memory_space<hbm>> -> memref<128x128xf32, #tpu.memory_space<hbm>>
    %dma_wait3A_92 = arith.constant 0 : i32
    %dma_wait3A_93 = tpu.memref_slice %arg4[%add3A_89, %dma_wait3A_92] : memref<819200x128xf32, #tpu.memory_space<hbm>> -> memref<128x128xf32, #tpu.memory_space<hbm>>
    tpu.wait_dma2 semaphore(%arg17 : memref<!tpu.dma_semaphore, #tpu.memory_space<semaphore_mem>>) src(%arg7 : memref<128x128xf32, #tpu.memory_space<vmem>>) dst(%dma_wait3A_93 : memref<128x128xf32, #tpu.memory_space<hbm>>)
    %dma_start3A_94 = arith.constant 6 : i32
    %dma_start3A_95 = arith.constant 0 : i32
    %dma_start3A_96 = tpu.memref_slice %arg5[%dma_start3A_94, %dma_start3A_95] : memref<200x128xi32, #tpu.memory_space<vmem>> -> memref<1x128xi32, #tpu.memory_space<vmem>>
    %dma_start3A_97 = tpu.memref_squeeze %dma_start3A_96 : memref<1x128xi32, #tpu.memory_space<vmem>> -> memref<128xi32, #tpu.memory_space<vmem>>
    %dma_start3A_98 = arith.constant 0 : i32
    %dma_start3A_99 = arith.constant 0 : i32
    %dma_start3A_100 = tpu.memref_slice %arg2[%dma_start3A_98, %dma_start3A_99] : memref<100000x128xf32, #tpu.memory_space<hbm>> -> memref<100000x128xf32, #tpu.memory_space<hbm>>
    tpu.enqueue_indirect_dma source(%dma_start3A_100 : memref<100000x128xf32, #tpu.memory_space<hbm>>) target(%arg7 : memref<128x128xf32, #tpu.memory_space<vmem>>) offsets(%dma_start3A_97 : memref<128xi32, #tpu.memory_space<vmem>>) semaphore(%arg12 : memref<!tpu.dma_semaphore, #tpu.memory_space<semaphore_mem>>)
    %dma_wait3A_101 = arith.constant 3 : i32
    %dma_wait3A_102 = arith.constant 0 : i32
    %dma_wait3A_103 = tpu.memref_slice %arg5[%dma_wait3A_101, %dma_wait3A_102] : memref<200x128xi32, #tpu.memory_space<vmem>> -> memref<1x128xi32, #tpu.memory_space<vmem>>
    %dma_wait3A_104 = tpu.memref_squeeze %dma_wait3A_103 : memref<1x128xi32, #tpu.memory_space<vmem>> -> memref<128xi32, #tpu.memory_space<vmem>>
    %dma_wait3A_105 = arith.constant 0 : i32
    %dma_wait3A_106 = arith.constant 0 : i32
    %dma_wait3A_107 = tpu.memref_slice %arg2[%dma_wait3A_105, %dma_wait3A_106] : memref<100000x128xf32, #tpu.memory_space<hbm>> -> memref<100000x128xf32, #tpu.memory_space<hbm>>
    tpu.wait_indirect_dma semaphore(%arg14 : memref<!tpu.dma_semaphore, #tpu.memory_space<semaphore_mem>>) src(%dma_wait3A_107 : memref<100000x128xf32, #tpu.memory_space<hbm>>) dst(%arg9 : memref<128x128xf32, #tpu.memory_space<vmem>>)
    %add3A_108 = arith.constant 384 : i32
    %add3A_109 = arith.addi %mul3A_2, %add3A_108 : i32
    %dma_start3A_110 = arith.constant 0 : i32
    %dma_start3A_111 = tpu.memref_slice %arg4[%add3A_109, %dma_start3A_110] : memref<819200x128xf32, #tpu.memory_space<hbm>> -> memref<128x128xf32, #tpu.memory_space<hbm>>
    %dma_start3A_112 = arith.constant 0 : i32
    %dma_start3A_113 = tpu.memref_slice %arg4[%add3A_109, %dma_start3A_112] : memref<819200x128xf32, #tpu.memory_space<hbm>> -> memref<128x128xf32, #tpu.memory_space<hbm>>
    tpu.enqueue_dma source(%arg9 : memref<128x128xf32, #tpu.memory_space<vmem>>) target(%dma_start3A_113 : memref<128x128xf32, #tpu.memory_space<hbm>>) target_semaphore(%arg19 : memref<!tpu.dma_semaphore, #tpu.memory_space<semaphore_mem>>)
    %add3A_114 = arith.constant 256 : i32
    %add3A_115 = arith.addi %mul3A_2, %add3A_114 : i32
    %dma_wait3A_116 = arith.constant 0 : i32
    %dma_wait3A_117 = tpu.memref_slice %arg4[%add3A_115, %dma_wait3A_116] : memref<819200x128xf32, #tpu.memory_space<hbm>> -> memref<128x128xf32, #tpu.memory_space<hbm>>
    %dma_wait3A_118 = arith.constant 0 : i32
    %dma_wait3A_119 = tpu.memref_slice %arg4[%add3A_115, %dma_wait3A_118] : memref<819200x128xf32, #tpu.memory_space<hbm>> -> memref<128x128xf32, #tpu.memory_space<hbm>>
    tpu.wait_dma2 semaphore(%arg18 : memref<!tpu.dma_semaphore, #tpu.memory_space<semaphore_mem>>) src(%arg8 : memref<128x128xf32, #tpu.memory_space<vmem>>) dst(%dma_wait3A_119 : memref<128x128xf32, #tpu.memory_space<hbm>>)
    %dma_start3A_120 = arith.constant 7 : i32
    %dma_start3A_121 = arith.constant 0 : i32
    %dma_start3A_122 = tpu.memref_slice %arg5[%dma_start3A_120, %dma_start3A_121] : memref<200x128xi32, #tpu.memory_space<vmem>> -> memref<1x128xi32, #tpu.memory_space<vmem>>
    %dma_start3A_123 = tpu.memref_squeeze %dma_start3A_122 : memref<1x128xi32, #tpu.memory_space<vmem>> -> memref<128xi32, #tpu.memory_space<vmem>>
    %dma_start3A_124 = arith.constant 0 : i32
    %dma_start3A_125 = arith.constant 0 : i32
    %dma_start3A_126 = tpu.memref_slice %arg2[%dma_start3A_124, %dma_start3A_125] : memref<100000x128xf32, #tpu.memory_space<hbm>> -> memref<100000x128xf32, #tpu.memory_space<hbm>>
    tpu.enqueue_indirect_dma source(%dma_start3A_126 : memref<100000x128xf32, #tpu.memory_space<hbm>>) target(%arg8 : memref<128x128xf32, #tpu.memory_space<vmem>>) offsets(%dma_start3A_123 : memref<128xi32, #tpu.memory_space<vmem>>) semaphore(%arg13 : memref<!tpu.dma_semaphore, #tpu.memory_space<semaphore_mem>>)
    %dma_wait3A_127 = arith.constant 4 : i32
    %dma_wait3A_128 = arith.constant 0 : i32
    %dma_wait3A_129 = tpu.memref_slice %arg5[%dma_wait3A_127, %dma_wait3A_128] : memref<200x128xi32, #tpu.memory_space<vmem>> -> memref<1x128xi32, #tpu.memory_space<vmem>>
    %dma_wait3A_130 = tpu.memref_squeeze %dma_wait3A_129 : memref<1x128xi32, #tpu.memory_space<vmem>> -> memref<128xi32, #tpu.memory_space<vmem>>
    %dma_wait3A_131 = arith.constant 0 : i32
    %dma_wait3A_132 = arith.constant 0 : i32
    %dma_wait3A_133 = tpu.memref_slice %arg2[%dma_wait3A_131, %dma_wait3A_132] : memref<100000x128xf32, #tpu.memory_space<hbm>> -> memref<100000x128xf32, #tpu.memory_space<hbm>>
    tpu.wait_indirect_dma semaphore(%arg15 : memref<!tpu.dma_semaphore, #tpu.memory_space<semaphore_mem>>) src(%dma_wait3A_133 : memref<100000x128xf32, #tpu.memory_space<hbm>>) dst(%arg10 : memref<128x128xf32, #tpu.memory_space<vmem>>)
    %add3A_134 = arith.constant 512 : i32
    %add3A_135 = arith.addi %mul3A_2, %add3A_134 : i32
    %dma_start3A_136 = arith.constant 0 : i32
    %dma_start3A_137 = tpu.memref_slice %arg4[%add3A_135, %dma_start3A_136] : memref<819200x128xf32, #tpu.memory_space<hbm>> -> memref<128x128xf32, #tpu.memory_space<hbm>>
    %dma_start3A_138 = arith.constant 0 : i32
    %dma_start3A_139 = tpu.memref_slice %arg4[%add3A_135, %dma_start3A_138] : memref<819200x128xf32, #tpu.memory_space<hbm>> -> memref<128x128xf32, #tpu.memory_space<hbm>>
    tpu.enqueue_dma source(%arg10 : memref<128x128xf32, #tpu.memory_space<vmem>>) target(%dma_start3A_139 : memref<128x128xf32, #tpu.memory_space<hbm>>) target_semaphore(%arg20 : memref<!tpu.dma_semaphore, #tpu.memory_space<semaphore_mem>>)
    %add3A_140 = arith.constant 384 : i32
    %add3A_141 = arith.addi %mul3A_2, %add3A_140 : i32
    %dma_wait3A_142 = arith.constant 0 : i32
    %dma_wait3A_143 = tpu.memref_slice %arg4[%add3A_141, %dma_wait3A_142] : memref<819200x128xf32, #tpu.memory_space<hbm>> -> memref<128x128xf32, #tpu.memory_space<hbm>>
    %dma_wait3A_144 = arith.constant 0 : i32
    %dma_wait3A_145 = tpu.memref_slice %arg4[%add3A_141, %dma_wait3A_144] : memref<819200x128xf32, #tpu.memory_space<hbm>> -> memref<128x128xf32, #tpu.memory_space<hbm>>
    tpu.wait_dma2 semaphore(%arg19 : memref<!tpu.dma_semaphore, #tpu.memory_space<semaphore_mem>>) src(%arg9 : memref<128x128xf32, #tpu.memory_space<vmem>>) dst(%dma_wait3A_145 : memref<128x128xf32, #tpu.memory_space<hbm>>)
    %dma_start3A_146 = arith.constant 8 : i32
    %dma_start3A_147 = arith.constant 0 : i32
    %dma_start3A_148 = tpu.memref_slice %arg5[%dma_start3A_146, %dma_start3A_147] : memref<200x128xi32, #tpu.memory_space<vmem>> -> memref<1x128xi32, #tpu.memory_space<vmem>>
    %dma_start3A_149 = tpu.memref_squeeze %dma_start3A_148 : memref<1x128xi32, #tpu.memory_space<vmem>> -> memref<128xi32, #tpu.memory_space<vmem>>
    %dma_start3A_150 = arith.constant 0 : i32
    %dma_start3A_151 = arith.constant 0 : i32
    %dma_start3A_152 = tpu.memref_slice %arg2[%dma_start3A_150, %dma_start3A_151] : memref<100000x128xf32, #tpu.memory_space<hbm>> -> memref<100000x128xf32, #tpu.memory_space<hbm>>
    tpu.enqueue_indirect_dma source(%dma_start3A_152 : memref<100000x128xf32, #tpu.memory_space<hbm>>) target(%arg9 : memref<128x128xf32, #tpu.memory_space<vmem>>) offsets(%dma_start3A_149 : memref<128xi32, #tpu.memory_space<vmem>>) semaphore(%arg14 : memref<!tpu.dma_semaphore, #tpu.memory_space<semaphore_mem>>)
    %scan3A = arith.constant 0 : i32
    %scan3A_153 = arith.constant 38 : i32
    %scan3A_154 = arith.addi %scan3A, %scan3A_153 : i32
    %scan3A_155 = arith.constant 1 : i32
    scf.for %scan3A_265 = %scan3A to %scan3A_154 step %scan3A_155  : i32 {
      %mul3A_266 = arith.constant 1 : i32
      %mul3A_267 = arith.muli %scan3A_265, %mul3A_266 : i32
      %add3A_268 = arith.constant 1 : i32
      %add3A_269 = arith.addi %add3A_268, %mul3A_267 : i32
      %mul3A_270 = arith.constant 5 : i32
      %mul3A_271 = arith.muli %add3A_269, %mul3A_270 : i32
      %add3A_272 = arith.constant 0 : i32
      %add3A_273 = arith.addi %mul3A_271, %add3A_272 : i32
      %dma_wait3A_274 = arith.constant 0 : i32
      %dma_wait3A_275 = tpu.memref_slice %arg5[%add3A_273, %dma_wait3A_274] : memref<200x128xi32, #tpu.memory_space<vmem>> -> memref<1x128xi32, #tpu.memory_space<vmem>>
      %dma_wait3A_276 = tpu.memref_squeeze %dma_wait3A_275 : memref<1x128xi32, #tpu.memory_space<vmem>> -> memref<128xi32, #tpu.memory_space<vmem>>
      %dma_wait3A_277 = arith.constant 0 : i32
      %dma_wait3A_278 = arith.constant 0 : i32
      %dma_wait3A_279 = tpu.memref_slice %arg2[%dma_wait3A_277, %dma_wait3A_278] : memref<100000x128xf32, #tpu.memory_space<hbm>> -> memref<100000x128xf32, #tpu.memory_space<hbm>>
      tpu.wait_indirect_dma semaphore(%arg11 : memref<!tpu.dma_semaphore, #tpu.memory_space<semaphore_mem>>) src(%dma_wait3A_279 : memref<100000x128xf32, #tpu.memory_space<hbm>>) dst(%arg6 : memref<128x128xf32, #tpu.memory_space<vmem>>)
      %mul3A_280 = arith.constant 128 : i32
      %mul3A_281 = arith.muli %add3A_273, %mul3A_280 : i32
      %add3A_282 = arith.addi %mul3A_2, %mul3A_281 : i32
      %dma_start3A_283 = arith.constant 0 : i32
      %dma_start3A_284 = tpu.memref_slice %arg4[%add3A_282, %dma_start3A_283] : memref<819200x128xf32, #tpu.memory_space<hbm>> -> memref<128x128xf32, #tpu.memory_space<hbm>>
      %dma_start3A_285 = arith.constant 0 : i32
      %dma_start3A_286 = tpu.memref_slice %arg4[%add3A_282, %dma_start3A_285] : memref<819200x128xf32, #tpu.memory_space<hbm>> -> memref<128x128xf32, #tpu.memory_space<hbm>>
      tpu.enqueue_dma source(%arg6 : memref<128x128xf32, #tpu.memory_space<vmem>>) target(%dma_start3A_286 : memref<128x128xf32, #tpu.memory_space<hbm>>) target_semaphore(%arg16 : memref<!tpu.dma_semaphore, #tpu.memory_space<semaphore_mem>>)
      %add3A_287 = arith.constant 4 : i32
      %add3A_288 = arith.addi %add3A_273, %add3A_287 : i32
      %sub3A = arith.constant 5 : i32
      %sub3A_289 = arith.subi %add3A_288, %sub3A : i32
      %mul3A_290 = arith.constant 128 : i32
      %mul3A_291 = arith.muli %sub3A_289, %mul3A_290 : i32
      %add3A_292 = arith.addi %mul3A_2, %mul3A_291 : i32
      %dma_wait3A_293 = arith.constant 0 : i32
      %dma_wait3A_294 = tpu.memref_slice %arg4[%add3A_292, %dma_wait3A_293] : memref<819200x128xf32, #tpu.memory_space<hbm>> -> memref<128x128xf32, #tpu.memory_space<hbm>>
      %dma_wait3A_295 = arith.constant 0 : i32
      %dma_wait3A_296 = tpu.memref_slice %arg4[%add3A_292, %dma_wait3A_295] : memref<819200x128xf32, #tpu.memory_space<hbm>> -> memref<128x128xf32, #tpu.memory_space<hbm>>
      tpu.wait_dma2 semaphore(%arg20 : memref<!tpu.dma_semaphore, #tpu.memory_space<semaphore_mem>>) src(%arg10 : memref<128x128xf32, #tpu.memory_space<vmem>>) dst(%dma_wait3A_296 : memref<128x128xf32, #tpu.memory_space<hbm>>)
      %add3A_297 = arith.constant 4 : i32
      %add3A_298 = arith.addi %add3A_273, %add3A_297 : i32
      %dma_start3A_299 = arith.constant 0 : i32
      %dma_start3A_300 = tpu.memref_slice %arg5[%add3A_298, %dma_start3A_299] : memref<200x128xi32, #tpu.memory_space<vmem>> -> memref<1x128xi32, #tpu.memory_space<vmem>>
      %dma_start3A_301 = tpu.memref_squeeze %dma_start3A_300 : memref<1x128xi32, #tpu.memory_space<vmem>> -> memref<128xi32, #tpu.memory_space<vmem>>
      %dma_start3A_302 = arith.constant 0 : i32
      %dma_start3A_303 = arith.constant 0 : i32
      %dma_start3A_304 = tpu.memref_slice %arg2[%dma_start3A_302, %dma_start3A_303] : memref<100000x128xf32, #tpu.memory_space<hbm>> -> memref<100000x128xf32, #tpu.memory_space<hbm>>
      tpu.enqueue_indirect_dma source(%dma_start3A_304 : memref<100000x128xf32, #tpu.memory_space<hbm>>) target(%arg10 : memref<128x128xf32, #tpu.memory_space<vmem>>) offsets(%dma_start3A_301 : memref<128xi32, #tpu.memory_space<vmem>>) semaphore(%arg15 : memref<!tpu.dma_semaphore, #tpu.memory_space<semaphore_mem>>)
      %mul3A_305 = arith.constant 5 : i32
      %mul3A_306 = arith.muli %add3A_269, %mul3A_305 : i32
      %add3A_307 = arith.constant 1 : i32
      %add3A_308 = arith.addi %mul3A_306, %add3A_307 : i32
      %dma_wait3A_309 = arith.constant 0 : i32
      %dma_wait3A_310 = tpu.memref_slice %arg5[%add3A_308, %dma_wait3A_309] : memref<200x128xi32, #tpu.memory_space<vmem>> -> memref<1x128xi32, #tpu.memory_space<vmem>>
      %dma_wait3A_311 = tpu.memref_squeeze %dma_wait3A_310 : memref<1x128xi32, #tpu.memory_space<vmem>> -> memref<128xi32, #tpu.memory_space<vmem>>
      %dma_wait3A_312 = arith.constant 0 : i32
      %dma_wait3A_313 = arith.constant 0 : i32
      %dma_wait3A_314 = tpu.memref_slice %arg2[%dma_wait3A_312, %dma_wait3A_313] : memref<100000x128xf32, #tpu.memory_space<hbm>> -> memref<100000x128xf32, #tpu.memory_space<hbm>>
      tpu.wait_indirect_dma semaphore(%arg12 : memref<!tpu.dma_semaphore, #tpu.memory_space<semaphore_mem>>) src(%dma_wait3A_314 : memref<100000x128xf32, #tpu.memory_space<hbm>>) dst(%arg7 : memref<128x128xf32, #tpu.memory_space<vmem>>)
      %mul3A_315 = arith.constant 128 : i32
      %mul3A_316 = arith.muli %add3A_308, %mul3A_315 : i32
      %add3A_317 = arith.addi %mul3A_2, %mul3A_316 : i32
      %dma_start3A_318 = arith.constant 0 : i32
      %dma_start3A_319 = tpu.memref_slice %arg4[%add3A_317, %dma_start3A_318] : memref<819200x128xf32, #tpu.memory_space<hbm>> -> memref<128x128xf32, #tpu.memory_space<hbm>>
      %dma_start3A_320 = arith.constant 0 : i32
      %dma_start3A_321 = tpu.memref_slice %arg4[%add3A_317, %dma_start3A_320] : memref<819200x128xf32, #tpu.memory_space<hbm>> -> memref<128x128xf32, #tpu.memory_space<hbm>>
      tpu.enqueue_dma source(%arg7 : memref<128x128xf32, #tpu.memory_space<vmem>>) target(%dma_start3A_321 : memref<128x128xf32, #tpu.memory_space<hbm>>) target_semaphore(%arg17 : memref<!tpu.dma_semaphore, #tpu.memory_space<semaphore_mem>>)
      %add3A_322 = arith.constant 4 : i32
      %add3A_323 = arith.addi %add3A_308, %add3A_322 : i32
      %sub3A_324 = arith.constant 5 : i32
      %sub3A_325 = arith.subi %add3A_323, %sub3A_324 : i32
      %mul3A_326 = arith.constant 128 : i32
      %mul3A_327 = arith.muli %sub3A_325, %mul3A_326 : i32
      %add3A_328 = arith.addi %mul3A_2, %mul3A_327 : i32
      %dma_wait3A_329 = arith.constant 0 : i32
      %dma_wait3A_330 = tpu.memref_slice %arg4[%add3A_328, %dma_wait3A_329] : memref<819200x128xf32, #tpu.memory_space<hbm>> -> memref<128x128xf32, #tpu.memory_space<hbm>>
      %dma_wait3A_331 = arith.constant 0 : i32
      %dma_wait3A_332 = tpu.memref_slice %arg4[%add3A_328, %dma_wait3A_331] : memref<819200x128xf32, #tpu.memory_space<hbm>> -> memref<128x128xf32, #tpu.memory_space<hbm>>
      tpu.wait_dma2 semaphore(%arg16 : memref<!tpu.dma_semaphore, #tpu.memory_space<semaphore_mem>>) src(%arg6 : memref<128x128xf32, #tpu.memory_space<vmem>>) dst(%dma_wait3A_332 : memref<128x128xf32, #tpu.memory_space<hbm>>)
      %add3A_333 = arith.constant 4 : i32
      %add3A_334 = arith.addi %add3A_308, %add3A_333 : i32
      %dma_start3A_335 = arith.constant 0 : i32
      %dma_start3A_336 = tpu.memref_slice %arg5[%add3A_334, %dma_start3A_335] : memref<200x128xi32, #tpu.memory_space<vmem>> -> memref<1x128xi32, #tpu.memory_space<vmem>>
      %dma_start3A_337 = tpu.memref_squeeze %dma_start3A_336 : memref<1x128xi32, #tpu.memory_space<vmem>> -> memref<128xi32, #tpu.memory_space<vmem>>
      %dma_start3A_338 = arith.constant 0 : i32
      %dma_start3A_339 = arith.constant 0 : i32
      %dma_start3A_340 = tpu.memref_slice %arg2[%dma_start3A_338, %dma_start3A_339] : memref<100000x128xf32, #tpu.memory_space<hbm>> -> memref<100000x128xf32, #tpu.memory_space<hbm>>
      tpu.enqueue_indirect_dma source(%dma_start3A_340 : memref<100000x128xf32, #tpu.memory_space<hbm>>) target(%arg6 : memref<128x128xf32, #tpu.memory_space<vmem>>) offsets(%dma_start3A_337 : memref<128xi32, #tpu.memory_space<vmem>>) semaphore(%arg11 : memref<!tpu.dma_semaphore, #tpu.memory_space<semaphore_mem>>)
      %mul3A_341 = arith.constant 5 : i32
      %mul3A_342 = arith.muli %add3A_269, %mul3A_341 : i32
      %add3A_343 = arith.constant 2 : i32
      %add3A_344 = arith.addi %mul3A_342, %add3A_343 : i32
      %dma_wait3A_345 = arith.constant 0 : i32
      %dma_wait3A_346 = tpu.memref_slice %arg5[%add3A_344, %dma_wait3A_345] : memref<200x128xi32, #tpu.memory_space<vmem>> -> memref<1x128xi32, #tpu.memory_space<vmem>>
      %dma_wait3A_347 = tpu.memref_squeeze %dma_wait3A_346 : memref<1x128xi32, #tpu.memory_space<vmem>> -> memref<128xi32, #tpu.memory_space<vmem>>
      %dma_wait3A_348 = arith.constant 0 : i32
      %dma_wait3A_349 = arith.constant 0 : i32
      %dma_wait3A_350 = tpu.memref_slice %arg2[%dma_wait3A_348, %dma_wait3A_349] : memref<100000x128xf32, #tpu.memory_space<hbm>> -> memref<100000x128xf32, #tpu.memory_space<hbm>>
      tpu.wait_indirect_dma semaphore(%arg13 : memref<!tpu.dma_semaphore, #tpu.memory_space<semaphore_mem>>) src(%dma_wait3A_350 : memref<100000x128xf32, #tpu.memory_space<hbm>>) dst(%arg8 : memref<128x128xf32, #tpu.memory_space<vmem>>)
      %mul3A_351 = arith.constant 128 : i32
      %mul3A_352 = arith.muli %add3A_344, %mul3A_351 : i32
      %add3A_353 = arith.addi %mul3A_2, %mul3A_352 : i32
      %dma_start3A_354 = arith.constant 0 : i32
      %dma_start3A_355 = tpu.memref_slice %arg4[%add3A_353, %dma_start3A_354] : memref<819200x128xf32, #tpu.memory_space<hbm>> -> memref<128x128xf32, #tpu.memory_space<hbm>>
      %dma_start3A_356 = arith.constant 0 : i32
      %dma_start3A_357 = tpu.memref_slice %arg4[%add3A_353, %dma_start3A_356] : memref<819200x128xf32, #tpu.memory_space<hbm>> -> memref<128x128xf32, #tpu.memory_space<hbm>>
      tpu.enqueue_dma source(%arg8 : memref<128x128xf32, #tpu.memory_space<vmem>>) target(%dma_start3A_357 : memref<128x128xf32, #tpu.memory_space<hbm>>) target_semaphore(%arg18 : memref<!tpu.dma_semaphore, #tpu.memory_space<semaphore_mem>>)
      %add3A_358 = arith.constant 4 : i32
      %add3A_359 = arith.addi %add3A_344, %add3A_358 : i32
      %sub3A_360 = arith.constant 5 : i32
      %sub3A_361 = arith.subi %add3A_359, %sub3A_360 : i32
      %mul3A_362 = arith.constant 128 : i32
      %mul3A_363 = arith.muli %sub3A_361, %mul3A_362 : i32
      %add3A_364 = arith.addi %mul3A_2, %mul3A_363 : i32
      %dma_wait3A_365 = arith.constant 0 : i32
      %dma_wait3A_366 = tpu.memref_slice %arg4[%add3A_364, %dma_wait3A_365] : memref<819200x128xf32, #tpu.memory_space<hbm>> -> memref<128x128xf32, #tpu.memory_space<hbm>>
      %dma_wait3A_367 = arith.constant 0 : i32
      %dma_wait3A_368 = tpu.memref_slice %arg4[%add3A_364, %dma_wait3A_367] : memref<819200x128xf32, #tpu.memory_space<hbm>> -> memref<128x128xf32, #tpu.memory_space<hbm>>
      tpu.wait_dma2 semaphore(%arg17 : memref<!tpu.dma_semaphore, #tpu.memory_space<semaphore_mem>>) src(%arg7 : memref<128x128xf32, #tpu.memory_space<vmem>>) dst(%dma_wait3A_368 : memref<128x128xf32, #tpu.memory_space<hbm>>)
      %add3A_369 = arith.constant 4 : i32
      %add3A_370 = arith.addi %add3A_344, %add3A_369 : i32
      %dma_start3A_371 = arith.constant 0 : i32
      %dma_start3A_372 = tpu.memref_slice %arg5[%add3A_370, %dma_start3A_371] : memref<200x128xi32, #tpu.memory_space<vmem>> -> memref<1x128xi32, #tpu.memory_space<vmem>>
      %dma_start3A_373 = tpu.memref_squeeze %dma_start3A_372 : memref<1x128xi32, #tpu.memory_space<vmem>> -> memref<128xi32, #tpu.memory_space<vmem>>
      %dma_start3A_374 = arith.constant 0 : i32
      %dma_start3A_375 = arith.constant 0 : i32
      %dma_start3A_376 = tpu.memref_slice %arg2[%dma_start3A_374, %dma_start3A_375] : memref<100000x128xf32, #tpu.memory_space<hbm>> -> memref<100000x128xf32, #tpu.memory_space<hbm>>
      tpu.enqueue_indirect_dma source(%dma_start3A_376 : memref<100000x128xf32, #tpu.memory_space<hbm>>) target(%arg7 : memref<128x128xf32, #tpu.memory_space<vmem>>) offsets(%dma_start3A_373 : memref<128xi32, #tpu.memory_space<vmem>>) semaphore(%arg12 : memref<!tpu.dma_semaphore, #tpu.memory_space<semaphore_mem>>)
      %mul3A_377 = arith.constant 5 : i32
      %mul3A_378 = arith.muli %add3A_269, %mul3A_377 : i32
      %add3A_379 = arith.constant 3 : i32
      %add3A_380 = arith.addi %mul3A_378, %add3A_379 : i32
      %dma_wait3A_381 = arith.constant 0 : i32
      %dma_wait3A_382 = tpu.memref_slice %arg5[%add3A_380, %dma_wait3A_381] : memref<200x128xi32, #tpu.memory_space<vmem>> -> memref<1x128xi32, #tpu.memory_space<vmem>>
      %dma_wait3A_383 = tpu.memref_squeeze %dma_wait3A_382 : memref<1x128xi32, #tpu.memory_space<vmem>> -> memref<128xi32, #tpu.memory_space<vmem>>
      %dma_wait3A_384 = arith.constant 0 : i32
      %dma_wait3A_385 = arith.constant 0 : i32
      %dma_wait3A_386 = tpu.memref_slice %arg2[%dma_wait3A_384, %dma_wait3A_385] : memref<100000x128xf32, #tpu.memory_space<hbm>> -> memref<100000x128xf32, #tpu.memory_space<hbm>>
      tpu.wait_indirect_dma semaphore(%arg14 : memref<!tpu.dma_semaphore, #tpu.memory_space<semaphore_mem>>) src(%dma_wait3A_386 : memref<100000x128xf32, #tpu.memory_space<hbm>>) dst(%arg9 : memref<128x128xf32, #tpu.memory_space<vmem>>)
      %mul3A_387 = arith.constant 128 : i32
      %mul3A_388 = arith.muli %add3A_380, %mul3A_387 : i32
      %add3A_389 = arith.addi %mul3A_2, %mul3A_388 : i32
      %dma_start3A_390 = arith.constant 0 : i32
      %dma_start3A_391 = tpu.memref_slice %arg4[%add3A_389, %dma_start3A_390] : memref<819200x128xf32, #tpu.memory_space<hbm>> -> memref<128x128xf32, #tpu.memory_space<hbm>>
      %dma_start3A_392 = arith.constant 0 : i32
      %dma_start3A_393 = tpu.memref_slice %arg4[%add3A_389, %dma_start3A_392] : memref<819200x128xf32, #tpu.memory_space<hbm>> -> memref<128x128xf32, #tpu.memory_space<hbm>>
      tpu.enqueue_dma source(%arg9 : memref<128x128xf32, #tpu.memory_space<vmem>>) target(%dma_start3A_393 : memref<128x128xf32, #tpu.memory_space<hbm>>) target_semaphore(%arg19 : memref<!tpu.dma_semaphore, #tpu.memory_space<semaphore_mem>>)
      %add3A_394 = arith.constant 4 : i32
      %add3A_395 = arith.addi %add3A_380, %add3A_394 : i32
      %sub3A_396 = arith.constant 5 : i32
      %sub3A_397 = arith.subi %add3A_395, %sub3A_396 : i32
      %mul3A_398 = arith.constant 128 : i32
      %mul3A_399 = arith.muli %sub3A_397, %mul3A_398 : i32
      %add3A_400 = arith.addi %mul3A_2, %mul3A_399 : i32
      %dma_wait3A_401 = arith.constant 0 : i32
      %dma_wait3A_402 = tpu.memref_slice %arg4[%add3A_400, %dma_wait3A_401] : memref<819200x128xf32, #tpu.memory_space<hbm>> -> memref<128x128xf32, #tpu.memory_space<hbm>>
      %dma_wait3A_403 = arith.constant 0 : i32
      %dma_wait3A_404 = tpu.memref_slice %arg4[%add3A_400, %dma_wait3A_403] : memref<819200x128xf32, #tpu.memory_space<hbm>> -> memref<128x128xf32, #tpu.memory_space<hbm>>
      tpu.wait_dma2 semaphore(%arg18 : memref<!tpu.dma_semaphore, #tpu.memory_space<semaphore_mem>>) src(%arg8 : memref<128x128xf32, #tpu.memory_space<vmem>>) dst(%dma_wait3A_404 : memref<128x128xf32, #tpu.memory_space<hbm>>)
      %add3A_405 = arith.constant 4 : i32
      %add3A_406 = arith.addi %add3A_380, %add3A_405 : i32
      %dma_start3A_407 = arith.constant 0 : i32
      %dma_start3A_408 = tpu.memref_slice %arg5[%add3A_406, %dma_start3A_407] : memref<200x128xi32, #tpu.memory_space<vmem>> -> memref<1x128xi32, #tpu.memory_space<vmem>>
      %dma_start3A_409 = tpu.memref_squeeze %dma_start3A_408 : memref<1x128xi32, #tpu.memory_space<vmem>> -> memref<128xi32, #tpu.memory_space<vmem>>
      %dma_start3A_410 = arith.constant 0 : i32
      %dma_start3A_411 = arith.constant 0 : i32
      %dma_start3A_412 = tpu.memref_slice %arg2[%dma_start3A_410, %dma_start3A_411] : memref<100000x128xf32, #tpu.memory_space<hbm>> -> memref<100000x128xf32, #tpu.memory_space<hbm>>
      tpu.enqueue_indirect_dma source(%dma_start3A_412 : memref<100000x128xf32, #tpu.memory_space<hbm>>) target(%arg8 : memref<128x128xf32, #tpu.memory_space<vmem>>) offsets(%dma_start3A_409 : memref<128xi32, #tpu.memory_space<vmem>>) semaphore(%arg13 : memref<!tpu.dma_semaphore, #tpu.memory_space<semaphore_mem>>)
      %mul3A_413 = arith.constant 5 : i32
      %mul3A_414 = arith.muli %add3A_269, %mul3A_413 : i32
      %add3A_415 = arith.constant 4 : i32
      %add3A_416 = arith.addi %mul3A_414, %add3A_415 : i32
      %dma_wait3A_417 = arith.constant 0 : i32
      %dma_wait3A_418 = tpu.memref_slice %arg5[%add3A_416, %dma_wait3A_417] : memref<200x128xi32, #tpu.memory_space<vmem>> -> memref<1x128xi32, #tpu.memory_space<vmem>>
      %dma_wait3A_419 = tpu.memref_squeeze %dma_wait3A_418 : memref<1x128xi32, #tpu.memory_space<vmem>> -> memref<128xi32, #tpu.memory_space<vmem>>
      %dma_wait3A_420 = arith.constant 0 : i32
      %dma_wait3A_421 = arith.constant 0 : i32
      %dma_wait3A_422 = tpu.memref_slice %arg2[%dma_wait3A_420, %dma_wait3A_421] : memref<100000x128xf32, #tpu.memory_space<hbm>> -> memref<100000x128xf32, #tpu.memory_space<hbm>>
      tpu.wait_indirect_dma semaphore(%arg15 : memref<!tpu.dma_semaphore, #tpu.memory_space<semaphore_mem>>) src(%dma_wait3A_422 : memref<100000x128xf32, #tpu.memory_space<hbm>>) dst(%arg10 : memref<128x128xf32, #tpu.memory_space<vmem>>)
      %mul3A_423 = arith.constant 128 : i32
      %mul3A_424 = arith.muli %add3A_416, %mul3A_423 : i32
      %add3A_425 = arith.addi %mul3A_2, %mul3A_424 : i32
      %dma_start3A_426 = arith.constant 0 : i32
      %dma_start3A_427 = tpu.memref_slice %arg4[%add3A_425, %dma_start3A_426] : memref<819200x128xf32, #tpu.memory_space<hbm>> -> memref<128x128xf32, #tpu.memory_space<hbm>>
      %dma_start3A_428 = arith.constant 0 : i32
      %dma_start3A_429 = tpu.memref_slice %arg4[%add3A_425, %dma_start3A_428] : memref<819200x128xf32, #tpu.memory_space<hbm>> -> memref<128x128xf32, #tpu.memory_space<hbm>>
      tpu.enqueue_dma source(%arg10 : memref<128x128xf32, #tpu.memory_space<vmem>>) target(%dma_start3A_429 : memref<128x128xf32, #tpu.memory_space<hbm>>) target_semaphore(%arg20 : memref<!tpu.dma_semaphore, #tpu.memory_space<semaphore_mem>>)
      %add3A_430 = arith.constant 4 : i32
      %add3A_431 = arith.addi %add3A_416, %add3A_430 : i32
      %sub3A_432 = arith.constant 5 : i32
      %sub3A_433 = arith.subi %add3A_431, %sub3A_432 : i32
      %mul3A_434 = arith.constant 128 : i32
      %mul3A_435 = arith.muli %sub3A_433, %mul3A_434 : i32
      %add3A_436 = arith.addi %mul3A_2, %mul3A_435 : i32
      %dma_wait3A_437 = arith.constant 0 : i32
      %dma_wait3A_438 = tpu.memref_slice %arg4[%add3A_436, %dma_wait3A_437] : memref<819200x128xf32, #tpu.memory_space<hbm>> -> memref<128x128xf32, #tpu.memory_space<hbm>>
      %dma_wait3A_439 = arith.constant 0 : i32
      %dma_wait3A_440 = tpu.memref_slice %arg4[%add3A_436, %dma_wait3A_439] : memref<819200x128xf32, #tpu.memory_space<hbm>> -> memref<128x128xf32, #tpu.memory_space<hbm>>
      tpu.wait_dma2 semaphore(%arg19 : memref<!tpu.dma_semaphore, #tpu.memory_space<semaphore_mem>>) src(%arg9 : memref<128x128xf32, #tpu.memory_space<vmem>>) dst(%dma_wait3A_440 : memref<128x128xf32, #tpu.memory_space<hbm>>)
      %add3A_441 = arith.constant 4 : i32
      %add3A_442 = arith.addi %add3A_416, %add3A_441 : i32
      %dma_start3A_443 = arith.constant 0 : i32
      %dma_start3A_444 = tpu.memref_slice %arg5[%add3A_442, %dma_start3A_443] : memref<200x128xi32, #tpu.memory_space<vmem>> -> memref<1x128xi32, #tpu.memory_space<vmem>>
      %dma_start3A_445 = tpu.memref_squeeze %dma_start3A_444 : memref<1x128xi32, #tpu.memory_space<vmem>> -> memref<128xi32, #tpu.memory_space<vmem>>
      %dma_start3A_446 = arith.constant 0 : i32
      %dma_start3A_447 = arith.constant 0 : i32
      %dma_start3A_448 = tpu.memref_slice %arg2[%dma_start3A_446, %dma_start3A_447] : memref<100000x128xf32, #tpu.memory_space<hbm>> -> memref<100000x128xf32, #tpu.memory_space<hbm>>
      tpu.enqueue_indirect_dma source(%dma_start3A_448 : memref<100000x128xf32, #tpu.memory_space<hbm>>) target(%arg9 : memref<128x128xf32, #tpu.memory_space<vmem>>) offsets(%dma_start3A_445 : memref<128xi32, #tpu.memory_space<vmem>>) semaphore(%arg14 : memref<!tpu.dma_semaphore, #tpu.memory_space<semaphore_mem>>)
    }
    %scan3A_156 = arith.constant 38 : i32
    %dma_wait3A_157 = arith.constant 195 : i32
    %dma_wait3A_158 = arith.constant 0 : i32
    %dma_wait3A_159 = tpu.memref_slice %arg5[%dma_wait3A_157, %dma_wait3A_158] : memref<200x128xi32, #tpu.memory_space<vmem>> -> memref<1x128xi32, #tpu.memory_space<vmem>>
    %dma_wait3A_160 = tpu.memref_squeeze %dma_wait3A_159 : memref<1x128xi32, #tpu.memory_space<vmem>> -> memref<128xi32, #tpu.memory_space<vmem>>
    %dma_wait3A_161 = arith.constant 0 : i32
    %dma_wait3A_162 = arith.constant 0 : i32
    %dma_wait3A_163 = tpu.memref_slice %arg2[%dma_wait3A_161, %dma_wait3A_162] : memref<100000x128xf32, #tpu.memory_space<hbm>> -> memref<100000x128xf32, #tpu.memory_space<hbm>>
    tpu.wait_indirect_dma semaphore(%arg11 : memref<!tpu.dma_semaphore, #tpu.memory_space<semaphore_mem>>) src(%dma_wait3A_163 : memref<100000x128xf32, #tpu.memory_space<hbm>>) dst(%arg6 : memref<128x128xf32, #tpu.memory_space<vmem>>)
    %add3A_164 = arith.constant 24960 : i32
    %add3A_165 = arith.addi %mul3A_2, %add3A_164 : i32
    %dma_start3A_166 = arith.constant 0 : i32
    %dma_start3A_167 = tpu.memref_slice %arg4[%add3A_165, %dma_start3A_166] : memref<819200x128xf32, #tpu.memory_space<hbm>> -> memref<128x128xf32, #tpu.memory_space<hbm>>
    %dma_start3A_168 = arith.constant 0 : i32
    %dma_start3A_169 = tpu.memref_slice %arg4[%add3A_165, %dma_start3A_168] : memref<819200x128xf32, #tpu.memory_space<hbm>> -> memref<128x128xf32, #tpu.memory_space<hbm>>
    tpu.enqueue_dma source(%arg6 : memref<128x128xf32, #tpu.memory_space<vmem>>) target(%dma_start3A_169 : memref<128x128xf32, #tpu.memory_space<hbm>>) target_semaphore(%arg16 : memref<!tpu.dma_semaphore, #tpu.memory_space<semaphore_mem>>)
    %add3A_170 = arith.constant 24832 : i32
    %add3A_171 = arith.addi %mul3A_2, %add3A_170 : i32
    %dma_wait3A_172 = arith.constant 0 : i32
    %dma_wait3A_173 = tpu.memref_slice %arg4[%add3A_171, %dma_wait3A_172] : memref<819200x128xf32, #tpu.memory_space<hbm>> -> memref<128x128xf32, #tpu.memory_space<hbm>>
    %dma_wait3A_174 = arith.constant 0 : i32
    %dma_wait3A_175 = tpu.memref_slice %arg4[%add3A_171, %dma_wait3A_174] : memref<819200x128xf32, #tpu.memory_space<hbm>> -> memref<128x128xf32, #tpu.memory_space<hbm>>
    tpu.wait_dma2 semaphore(%arg20 : memref<!tpu.dma_semaphore, #tpu.memory_space<semaphore_mem>>) src(%arg10 : memref<128x128xf32, #tpu.memory_space<vmem>>) dst(%dma_wait3A_175 : memref<128x128xf32, #tpu.memory_space<hbm>>)
    %dma_start3A_176 = arith.constant 199 : i32
    %dma_start3A_177 = arith.constant 0 : i32
    %dma_start3A_178 = tpu.memref_slice %arg5[%dma_start3A_176, %dma_start3A_177] : memref<200x128xi32, #tpu.memory_space<vmem>> -> memref<1x128xi32, #tpu.memory_space<vmem>>
    %dma_start3A_179 = tpu.memref_squeeze %dma_start3A_178 : memref<1x128xi32, #tpu.memory_space<vmem>> -> memref<128xi32, #tpu.memory_space<vmem>>
    %dma_start3A_180 = arith.constant 0 : i32
    %dma_start3A_181 = arith.constant 0 : i32
    %dma_start3A_182 = tpu.memref_slice %arg2[%dma_start3A_180, %dma_start3A_181] : memref<100000x128xf32, #tpu.memory_space<hbm>> -> memref<100000x128xf32, #tpu.memory_space<hbm>>
    tpu.enqueue_indirect_dma source(%dma_start3A_182 : memref<100000x128xf32, #tpu.memory_space<hbm>>) target(%arg10 : memref<128x128xf32, #tpu.memory_space<vmem>>) offsets(%dma_start3A_179 : memref<128xi32, #tpu.memory_space<vmem>>) semaphore(%arg15 : memref<!tpu.dma_semaphore, #tpu.memory_space<semaphore_mem>>)
    %dma_wait3A_183 = arith.constant 196 : i32
    %dma_wait3A_184 = arith.constant 0 : i32
    %dma_wait3A_185 = tpu.memref_slice %arg5[%dma_wait3A_183, %dma_wait3A_184] : memref<200x128xi32, #tpu.memory_space<vmem>> -> memref<1x128xi32, #tpu.memory_space<vmem>>
    %dma_wait3A_186 = tpu.memref_squeeze %dma_wait3A_185 : memref<1x128xi32, #tpu.memory_space<vmem>> -> memref<128xi32, #tpu.memory_space<vmem>>
    %dma_wait3A_187 = arith.constant 0 : i32
    %dma_wait3A_188 = arith.constant 0 : i32
    %dma_wait3A_189 = tpu.memref_slice %arg2[%dma_wait3A_187, %dma_wait3A_188] : memref<100000x128xf32, #tpu.memory_space<hbm>> -> memref<100000x128xf32, #tpu.memory_space<hbm>>
    tpu.wait_indirect_dma semaphore(%arg12 : memref<!tpu.dma_semaphore, #tpu.memory_space<semaphore_mem>>) src(%dma_wait3A_189 : memref<100000x128xf32, #tpu.memory_space<hbm>>) dst(%arg7 : memref<128x128xf32, #tpu.memory_space<vmem>>)
    %add3A_190 = arith.constant 25088 : i32
    %add3A_191 = arith.addi %mul3A_2, %add3A_190 : i32
    %dma_start3A_192 = arith.constant 0 : i32
    %dma_start3A_193 = tpu.memref_slice %arg4[%add3A_191, %dma_start3A_192] : memref<819200x128xf32, #tpu.memory_space<hbm>> -> memref<128x128xf32, #tpu.memory_space<hbm>>
    %dma_start3A_194 = arith.constant 0 : i32
    %dma_start3A_195 = tpu.memref_slice %arg4[%add3A_191, %dma_start3A_194] : memref<819200x128xf32, #tpu.memory_space<hbm>> -> memref<128x128xf32, #tpu.memory_space<hbm>>
    tpu.enqueue_dma source(%arg7 : memref<128x128xf32, #tpu.memory_space<vmem>>) target(%dma_start3A_195 : memref<128x128xf32, #tpu.memory_space<hbm>>) target_semaphore(%arg17 : memref<!tpu.dma_semaphore, #tpu.memory_space<semaphore_mem>>)
    %dma_wait3A_196 = arith.constant 197 : i32
    %dma_wait3A_197 = arith.constant 0 : i32
    %dma_wait3A_198 = tpu.memref_slice %arg5[%dma_wait3A_196, %dma_wait3A_197] : memref<200x128xi32, #tpu.memory_space<vmem>> -> memref<1x128xi32, #tpu.memory_space<vmem>>
    %dma_wait3A_199 = tpu.memref_squeeze %dma_wait3A_198 : memref<1x128xi32, #tpu.memory_space<vmem>> -> memref<128xi32, #tpu.memory_space<vmem>>
    %dma_wait3A_200 = arith.constant 0 : i32
    %dma_wait3A_201 = arith.constant 0 : i32
    %dma_wait3A_202 = tpu.memref_slice %arg2[%dma_wait3A_200, %dma_wait3A_201] : memref<100000x128xf32, #tpu.memory_space<hbm>> -> memref<100000x128xf32, #tpu.memory_space<hbm>>
    tpu.wait_indirect_dma semaphore(%arg13 : memref<!tpu.dma_semaphore, #tpu.memory_space<semaphore_mem>>) src(%dma_wait3A_202 : memref<100000x128xf32, #tpu.memory_space<hbm>>) dst(%arg8 : memref<128x128xf32, #tpu.memory_space<vmem>>)
    %add3A_203 = arith.constant 25216 : i32
    %add3A_204 = arith.addi %mul3A_2, %add3A_203 : i32
    %dma_start3A_205 = arith.constant 0 : i32
    %dma_start3A_206 = tpu.memref_slice %arg4[%add3A_204, %dma_start3A_205] : memref<819200x128xf32, #tpu.memory_space<hbm>> -> memref<128x128xf32, #tpu.memory_space<hbm>>
    %dma_start3A_207 = arith.constant 0 : i32
    %dma_start3A_208 = tpu.memref_slice %arg4[%add3A_204, %dma_start3A_207] : memref<819200x128xf32, #tpu.memory_space<hbm>> -> memref<128x128xf32, #tpu.memory_space<hbm>>
    tpu.enqueue_dma source(%arg8 : memref<128x128xf32, #tpu.memory_space<vmem>>) target(%dma_start3A_208 : memref<128x128xf32, #tpu.memory_space<hbm>>) target_semaphore(%arg18 : memref<!tpu.dma_semaphore, #tpu.memory_space<semaphore_mem>>)
    %dma_wait3A_209 = arith.constant 198 : i32
    %dma_wait3A_210 = arith.constant 0 : i32
    %dma_wait3A_211 = tpu.memref_slice %arg5[%dma_wait3A_209, %dma_wait3A_210] : memref<200x128xi32, #tpu.memory_space<vmem>> -> memref<1x128xi32, #tpu.memory_space<vmem>>
    %dma_wait3A_212 = tpu.memref_squeeze %dma_wait3A_211 : memref<1x128xi32, #tpu.memory_space<vmem>> -> memref<128xi32, #tpu.memory_space<vmem>>
    %dma_wait3A_213 = arith.constant 0 : i32
    %dma_wait3A_214 = arith.constant 0 : i32
    %dma_wait3A_215 = tpu.memref_slice %arg2[%dma_wait3A_213, %dma_wait3A_214] : memref<100000x128xf32, #tpu.memory_space<hbm>> -> memref<100000x128xf32, #tpu.memory_space<hbm>>
    tpu.wait_indirect_dma semaphore(%arg14 : memref<!tpu.dma_semaphore, #tpu.memory_space<semaphore_mem>>) src(%dma_wait3A_215 : memref<100000x128xf32, #tpu.memory_space<hbm>>) dst(%arg9 : memref<128x128xf32, #tpu.memory_space<vmem>>)
    %add3A_216 = arith.constant 25344 : i32
    %add3A_217 = arith.addi %mul3A_2, %add3A_216 : i32
    %dma_start3A_218 = arith.constant 0 : i32
    %dma_start3A_219 = tpu.memref_slice %arg4[%add3A_217, %dma_start3A_218] : memref<819200x128xf32, #tpu.memory_space<hbm>> -> memref<128x128xf32, #tpu.memory_space<hbm>>
    %dma_start3A_220 = arith.constant 0 : i32
    %dma_start3A_221 = tpu.memref_slice %arg4[%add3A_217, %dma_start3A_220] : memref<819200x128xf32, #tpu.memory_space<hbm>> -> memref<128x128xf32, #tpu.memory_space<hbm>>
    tpu.enqueue_dma source(%arg9 : memref<128x128xf32, #tpu.memory_space<vmem>>) target(%dma_start3A_221 : memref<128x128xf32, #tpu.memory_space<hbm>>) target_semaphore(%arg19 : memref<!tpu.dma_semaphore, #tpu.memory_space<semaphore_mem>>)
    %dma_wait3A_222 = arith.constant 199 : i32
    %dma_wait3A_223 = arith.constant 0 : i32
    %dma_wait3A_224 = tpu.memref_slice %arg5[%dma_wait3A_222, %dma_wait3A_223] : memref<200x128xi32, #tpu.memory_space<vmem>> -> memref<1x128xi32, #tpu.memory_space<vmem>>
    %dma_wait3A_225 = tpu.memref_squeeze %dma_wait3A_224 : memref<1x128xi32, #tpu.memory_space<vmem>> -> memref<128xi32, #tpu.memory_space<vmem>>
    %dma_wait3A_226 = arith.constant 0 : i32
    %dma_wait3A_227 = arith.constant 0 : i32
    %dma_wait3A_228 = tpu.memref_slice %arg2[%dma_wait3A_226, %dma_wait3A_227] : memref<100000x128xf32, #tpu.memory_space<hbm>> -> memref<100000x128xf32, #tpu.memory_space<hbm>>
    tpu.wait_indirect_dma semaphore(%arg15 : memref<!tpu.dma_semaphore, #tpu.memory_space<semaphore_mem>>) src(%dma_wait3A_228 : memref<100000x128xf32, #tpu.memory_space<hbm>>) dst(%arg10 : memref<128x128xf32, #tpu.memory_space<vmem>>)
    %add3A_229 = arith.constant 25472 : i32
    %add3A_230 = arith.addi %mul3A_2, %add3A_229 : i32
    %dma_start3A_231 = arith.constant 0 : i32
    %dma_start3A_232 = tpu.memref_slice %arg4[%add3A_230, %dma_start3A_231] : memref<819200x128xf32, #tpu.memory_space<hbm>> -> memref<128x128xf32, #tpu.memory_space<hbm>>
    %dma_start3A_233 = arith.constant 0 : i32
    %dma_start3A_234 = tpu.memref_slice %arg4[%add3A_230, %dma_start3A_233] : memref<819200x128xf32, #tpu.memory_space<hbm>> -> memref<128x128xf32, #tpu.memory_space<hbm>>
    tpu.enqueue_dma source(%arg10 : memref<128x128xf32, #tpu.memory_space<vmem>>) target(%dma_start3A_234 : memref<128x128xf32, #tpu.memory_space<hbm>>) target_semaphore(%arg20 : memref<!tpu.dma_semaphore, #tpu.memory_space<semaphore_mem>>)
    %add3A_235 = arith.constant 24960 : i32
    %add3A_236 = arith.addi %mul3A_2, %add3A_235 : i32
    %dma_wait3A_237 = arith.constant 0 : i32
    %dma_wait3A_238 = tpu.memref_slice %arg4[%add3A_236, %dma_wait3A_237] : memref<819200x128xf32, #tpu.memory_space<hbm>> -> memref<128x128xf32, #tpu.memory_space<hbm>>
    %dma_wait3A_239 = arith.constant 0 : i32
    %dma_wait3A_240 = tpu.memref_slice %arg4[%add3A_236, %dma_wait3A_239] : memref<819200x128xf32, #tpu.memory_space<hbm>> -> memref<128x128xf32, #tpu.memory_space<hbm>>
    tpu.wait_dma2 semaphore(%arg16 : memref<!tpu.dma_semaphore, #tpu.memory_space<semaphore_mem>>) src(%arg6 : memref<128x128xf32, #tpu.memory_space<vmem>>) dst(%dma_wait3A_240 : memref<128x128xf32, #tpu.memory_space<hbm>>)
    %add3A_241 = arith.constant 25088 : i32
    %add3A_242 = arith.addi %mul3A_2, %add3A_241 : i32
    %dma_wait3A_243 = arith.constant 0 : i32
    %dma_wait3A_244 = tpu.memref_slice %arg4[%add3A_242, %dma_wait3A_243] : memref<819200x128xf32, #tpu.memory_space<hbm>> -> memref<128x128xf32, #tpu.memory_space<hbm>>
    %dma_wait3A_245 = arith.constant 0 : i32
    %dma_wait3A_246 = tpu.memref_slice %arg4[%add3A_242, %dma_wait3A_245] : memref<819200x128xf32, #tpu.memory_space<hbm>> -> memref<128x128xf32, #tpu.memory_space<hbm>>
    tpu.wait_dma2 semaphore(%arg17 : memref<!tpu.dma_semaphore, #tpu.memory_space<semaphore_mem>>) src(%arg7 : memref<128x128xf32, #tpu.memory_space<vmem>>) dst(%dma_wait3A_246 : memref<128x128xf32, #tpu.memory_space<hbm>>)
    %add3A_247 = arith.constant 25216 : i32
    %add3A_248 = arith.addi %mul3A_2, %add3A_247 : i32
    %dma_wait3A_249 = arith.constant 0 : i32
    %dma_wait3A_250 = tpu.memref_slice %arg4[%add3A_248, %dma_wait3A_249] : memref<819200x128xf32, #tpu.memory_space<hbm>> -> memref<128x128xf32, #tpu.memory_space<hbm>>
    %dma_wait3A_251 = arith.constant 0 : i32
    %dma_wait3A_252 = tpu.memref_slice %arg4[%add3A_248, %dma_wait3A_251] : memref<819200x128xf32, #tpu.memory_space<hbm>> -> memref<128x128xf32, #tpu.memory_space<hbm>>
    tpu.wait_dma2 semaphore(%arg18 : memref<!tpu.dma_semaphore, #tpu.memory_space<semaphore_mem>>) src(%arg8 : memref<128x128xf32, #tpu.memory_space<vmem>>) dst(%dma_wait3A_252 : memref<128x128xf32, #tpu.memory_space<hbm>>)
    %add3A_253 = arith.constant 25344 : i32
    %add3A_254 = arith.addi %mul3A_2, %add3A_253 : i32
    %dma_wait3A_255 = arith.constant 0 : i32
    %dma_wait3A_256 = tpu.memref_slice %arg4[%add3A_254, %dma_wait3A_255] : memref<819200x128xf32, #tpu.memory_space<hbm>> -> memref<128x128xf32, #tpu.memory_space<hbm>>
    %dma_wait3A_257 = arith.constant 0 : i32
    %dma_wait3A_258 = tpu.memref_slice %arg4[%add3A_254, %dma_wait3A_257] : memref<819200x128xf32, #tpu.memory_space<hbm>> -> memref<128x128xf32, #tpu.memory_space<hbm>>
    tpu.wait_dma2 semaphore(%arg19 : memref<!tpu.dma_semaphore, #tpu.memory_space<semaphore_mem>>) src(%arg9 : memref<128x128xf32, #tpu.memory_space<vmem>>) dst(%dma_wait3A_258 : memref<128x128xf32, #tpu.memory_space<hbm>>)
    %add3A_259 = arith.constant 25472 : i32
    %add3A_260 = arith.addi %mul3A_2, %add3A_259 : i32
    %dma_wait3A_261 = arith.constant 0 : i32
    %dma_wait3A_262 = tpu.memref_slice %arg4[%add3A_260, %dma_wait3A_261] : memref<819200x128xf32, #tpu.memory_space<hbm>> -> memref<128x128xf32, #tpu.memory_space<hbm>>
    %dma_wait3A_263 = arith.constant 0 : i32
    %dma_wait3A_264 = tpu.memref_slice %arg4[%add3A_260, %dma_wait3A_263] : memref<819200x128xf32, #tpu.memory_space<hbm>> -> memref<128x128xf32, #tpu.memory_space<hbm>>
    tpu.wait_dma2 semaphore(%arg20 : memref<!tpu.dma_semaphore, #tpu.memory_space<semaphore_mem>>) src(%arg10 : memref<128x128xf32, #tpu.memory_space<vmem>>) dst(%dma_wait3A_264 : memref<128x128xf32, #tpu.memory_space<hbm>>)
    return
  }
}

</mosaic_0001>

<sc_bundles>
// kernel: kernel.3.cloned.1.call-start
scs
__scs_entry_jumppad:
0x0: {  	(pc) =	sbr.rel $0x88, $3  }
0x1: {  	(tag) =	ssettag $0x0;
	lr =	simm.s32 $0x1  }
0x2: {  	[smem:$0x3F9F] =	sst lr;
	_ =	strace $0xD0000000  }
0x3: {  	_ = 	snop  }
0x4: {  	_ = 	snop  }
0x5: {  	_ = 	snop  }
0x6: {  	_ = 	snop  }
0x7: {  	_ = 	snop  }
__scs_overlays_trampoline_lowered:
0x8: {  	[smem:$0x3FAE] =	sst s0  }
0x9: {  	[smem:$0x3FAF] =	sst s1  }
0xa: {  	[smem:$0x3FB0] =	sst s2  }
0xb: {  	[smem:$0x3FB1] =	sst s3  }
0xc: {  	[smem:$0x3FB2] =	sst s4  }
0xd: {  	[smem:$0x3FB3] =	sst s5  }
0xe: {  	[smem:$0x3FB4] =	sst s6  }
0xf: {  	[smem:$0x3FB5] =	sst s7  }
0x10: {  	[smem:$0x3FB6] =	sst s8  }
0x11: {  	[smem:$0x3FB7] =	sst s9;
	s0 =	simm.s32 @!p0 $0x0  }
0x12: {  	s1 =	sld [smem:$0x3F9D];
	s0 =	simm.s32 @p0 $0x1  }
0x13: {  	[smem:$0x3FB8] =	sst s0;
	s0 =	simm.s32 @!p1 $0x0  }
0x14: {  	s2 =	sld [smem:$0x3F9C];
	s0 =	simm.s32 @p1 $0x1  }
0x15: {  	[smem:$0x3FB9] =	sst s0;
	s0 =	simm.s32 @!p2 $0x0  }
0x16: {  	s3 =	sld [smem:$0x3FDB];
	s0 =	simm.s32 @p2 $0x1  }
0x17: {  	s4 =	simm.s32 $0x1BF5;
	[smem:$0x3FBB] =	sst s0  }
0x18: {  	s0 =	sld [smem:$0x3F9E];
	_ =	swait.ge [sflag:s4], $0x0  }
0x19: {  	s7 =	sld [smem:$0x3F9F]  }
0x1a: {  	s8 =	sadd.s32 $0xFFFFE003, lr  }
0x1b: {  	s9 =	sadd.s32 $0xFFFFFEF7, lr;
	s5 =	simm.s32 $0xFFFFFFFF;
	p2 =	slt.u32 s8, $0xFFFFF086  }
0x1c: {  	p1 =	slt.u32 s9, $0xF7A;
	s5 =	simm.s32 @!p2 $0x0  }
0x1d: {  	s5 =	simm.s32 @p1 $0x1;
	p0 =	seq.s32 s7, s2  }
0x1e: {  	s7 =	smul.u32 @!p0 $0xF7A, s2;
	p2 =	seq.s32 @!p0 s5, $0x0  }
0x1f: {  	s9 =	smul.u32 $0xF7A, s1;
	s8 =	simm.s32 @!p0 $0x1BF5;
	p2 =	por !p2, p0  }
0x20: {  	[sflag:s8] =	ssyncset.s32 @!p0 $0xFFFFF086;
	s6 =	sadd.s32 @!p0 s3, s7;
	s7 =	simm.s32 @!p0 $0x108  }
0x21: {  	s3 =	sadd.s32 s3, s9;
	s6 =	sadd.s32 @!p0 $0x88, s6;
	s7 =	simm.s32 @p2 $0x1082  }
0x22: {  	[simem:s7], [sflag:s8] =	dma.local @!p0 [hbm:s6], $0xF7A  }
0x23: {  	s9 =	sor.u32 $0xD0000000, s2;
	s6 =	simm.s32 $0x108;
	_ =	swait.ge @!p0 [sflag:s8], $0x0  }
0x24: {  	s3 =	sadd.s32 $0x88, s3;
	s6 =	simm.s32 @!p1 $0x1082;
	[sflag:s4] =	ssyncset.s32 $0xFFFFF086  }
0x25: {  	[simem:s6], [sflag:s4] =	dma.local [hbm:s3], $0xF7A  }
0x26: {  	[smem:$0x3F9F] =	sst s1;
	(tag) =	ssettag s2;
	_ =	strace s9  }
0x27: {  	s1 =	sld [smem:$0x3FAF]  }
0x28: {  	s2 =	sld [smem:$0x3FB0]  }
0x29: {  	s4 =	sld [smem:$0x3FB2]  }
0x2a: {  	p0 =	seq.s32 s5, $0x0;
	s5 =	sld [smem:$0x3FB3]  }
0x2b: {  	s6 =	sld [smem:$0x3FB4]  }
0x2c: {  	s7 =	sld [smem:$0x3FB5]  }
0x2d: {  	s3 =	simm.s32 $0x108;
	s8 =	sld [smem:$0x3FB6]  }
0x2e: {  	s3 =	simm.s32 @!p0 $0x1082;
	s9 =	sld [smem:$0x3FB7]  }
0x2f: {  	lr =	sadd.s32 s0, s3;
	s0 =	sld [smem:$0x3FAE]  }
0x30: {  	s3 =	sld [smem:$0x3FB1]  }
0x31: {  	[smem:$0x3FBA] =	sst s10  }
0x32: {  	s10 =	sld [smem:$0x3FB8];
	_ =	sdelay $0x3  }
0x33: {  	p0 =	seq.s32 s10, $0x1;
	s10 =	sld [smem:$0x3FBA];
	_ =	sdelay $0x3  }
0x34: {  	[smem:$0x3FBA] =	sst s10  }
0x35: {  	s10 =	sld [smem:$0x3FB9];
	_ =	sdelay $0x3  }
0x36: {  	p1 =	seq.s32 s10, $0x1;
	s10 =	sld [smem:$0x3FBA];
	_ =	sdelay $0x3  }
0x37: {  	[smem:$0x3FBA] =	sst s10  }
0x38: {  	s10 =	sld [smem:$0x3FBB]  }
0x39: {  	_ = 	snop;
	(pc) =	sbr.ind lr, $3  }
0x3a: {  	_ = 	snop  }
0x3b: {  	_ = 	snop  }
0x3c: {  	p2 =	seq.s32 s10, $0x1;
	s10 =	sld [smem:$0x3FBA]  }
0x3d: {  	_ =	shalt  }
0x3e: {  	_ =	shalt  }
0x3f: {  	_ =	shalt  }
0x40: {  	_ =	shalt  }
0x41: {  	_ =	shalt  }
0x42: {  	_ =	shalt  }
0x43: {  	_ =	shalt  }
0x44: {  	_ =	shalt  }
0x45: {  	_ =	shalt  }
0x46: {  	_ =	shalt  }
0x47: {  	_ =	shalt  }
0x48: {  	_ =	shalt  }
0x49: {  	_ =	shalt  }
0x4a: {  	_ =	shalt  }
0x4b: {  	_ =	shalt  }
0x4c: {  	_ =	shalt  }
0x4d: {  	_ =	shalt  }
0x4e: {  	_ =	shalt  }
0x4f: {  	_ =	shalt  }
0x50: {  	_ =	shalt  }
0x51: {  	_ =	shalt  }
0x52: {  	_ =	shalt  }
0x53: {  	_ =	shalt  }
0x54: {  	_ =	shalt  }
0x55: {  	_ =	shalt  }
0x56: {  	_ =	shalt  }
0x57: {  	_ =	shalt  }
0x58: {  	_ =	shalt  }
0x59: {  	_ =	shalt  }
0x5a: {  	_ =	shalt  }
0x5b: {  	_ =	shalt  }
0x5c: {  	_ =	shalt  }
0x5d: {  	_ =	shalt  }
0x5e: {  	_ =	shalt  }
0x5f: {  	_ =	shalt  }
0x60: {  	_ =	shalt  }
0x61: {  	_ =	shalt  }
0x62: {  	_ =	shalt  }
0x63: {  	_ =	shalt  }
0x64: {  	_ =	shalt  }
0x65: {  	_ =	shalt  }
0x66: {  	_ =	shalt  }
0x67: {  	_ =	shalt  }
0x68: {  	_ =	shalt  }
0x69: {  	_ =	shalt  }
0x6a: {  	_ =	shalt  }
0x6b: {  	_ =	shalt  }
0x6c: {  	_ =	shalt  }
0x6d: {  	_ =	shalt  }
0x6e: {  	_ =	shalt  }
0x6f: {  	_ =	shalt  }
0x70: {  	_ =	shalt  }
0x71: {  	_ =	shalt  }
0x72: {  	_ =	shalt  }
0x73: {  	_ =	shalt  }
0x74: {  	_ =	shalt  }
0x75: {  	_ =	shalt  }
0x76: {  	_ =	shalt  }
0x77: {  	_ =	shalt  }
0x78: {  	_ =	shalt  }
0x79: {  	_ =	shalt  }
0x7a: {  	_ =	shalt  }
0x7b: {  	_ =	shalt  }
0x7c: {  	_ =	shalt  }
0x7d: {  	_ =	shalt  }
0x7e: {  	_ =	shalt  }
0x7f: {  	_ =	shalt  }
0x80: {  	_ =	shalt  }
0x81: {  	_ =	shalt  }
0x82: {  	_ =	shalt  }
0x83: {  	_ =	shalt  }
0x84: {  	_ =	shalt  }
0x85: {  	_ =	shalt  }
0x86: {  	_ =	shalt  }
0x87: {  	_ =	shalt  }
.Lfunc_end0:
.L_simem_size_0:
called_computation_lowered:
.L_overlay_start_0:
0x88: {  	s2 =	sld [smem:$0x3FD9]  }
0x89: {  	s3 =	sld [smem:$0x3FFE];
	_ =	sdelay $0x1  }
0x8a: {  	s1 =	srdreg.scid  }
0x8b: {  	s0 =	sand.u32 $0x1, s1  }
0x8c: {  	s17 =	sshll.u32 s0, $0xA;
	s2 =	sadd.s32 s3, s2  }
0x8d: {  	s2 =	sadd.s32 s2, s17  }
0x8e: {  	[smem:$0x3FC6] =	sst s2  }
0x8f: {  	_ = 	snop  }
0x90: {  	s2 =	sld [smem:$0x3FC8]  }
0x91: {  	s18 =	sld [smem:$0x3FD0];
	(tm) =	ssettm $0x1  }
0x92: {  	s4 =	sld [smem:$0x3FFB];
	_ =	sdelay $0x3  }
0x93: {  	_ =	strace s4  }
0x94: {  	s4 =	sld [smem:$0x3FFC];
	_ =	sdelay $0x3  }
0x95: {  	_ =	strace s4  }
0x96: {  	s4 =	sld [smem:$0x3FFD];
	_ =	sdelay $0x3  }
0x97: {  	_ =	strace s4  }
0x98: {  	_ =	strace $0x8FFFFFFF  }
0x99: {  	s19 =	sld [smem:$0x3FDB];
	_ =	sdelay $0x1  }
0x9a: {  	s5 =	simm.s32 $_scs_section_size  }
0x9b: {  	s6 =	simm.s32 $_size__tile_overlayer_lowered;
	s7 =	simm.s32 $_tile_overlayer_lowered  }
0x9c: {  	s22 =	simm.s32 $0x1BFF;
	s21 =	sshll.u32 s7, $0x1;
	s4 =	sadd.s32 s5, s19  }
0x9d: {  	s8 =	simm.s32 $0x0;
	s20 =	sshll.u32 s6, $0x1;
	s6 =	sadd.s32 s21, s4  }
0x9e: {  	[timem:s8], [sflag:s22] =	dma.local [hbm:s6], s20  }
0x9f: {  	_ =	swait.ge [sflag:s22], s20  }
0xa0: {  	s5 =	ssub.s32 $0x0, s20;
	[sflag:s22] =	ssyncset.done $0x0  }
0xa1: {  	[sflag:s22] =	ssyncadd.s32 s5;
	_ =	sdelay $0x1  }
0xa2: {  	s23 =	simm.s32 $0x1B8B  }
0xa3: {  	_ =	swait.ge [sflag:s23], $0x1  }
0xa4: {  	[sflag:s23] =	ssyncset.done $0x0  }
0xa5: {  	s25 =	simm.s32 $0x1B8E;
	s24 =	sld [smem:$0x3FFE];
	[sflag:s23] =	ssyncadd.s32 $0xFFFFFFFF  }
0xa6: {  	s26 =	simm.s32 $execute0_lowered;
	[smem:$0x3FD2] =	sst s25  }
0xa7: {  	s6 =	sshll.u32 s26, $0x1;
	_ =	strace $0x80000046;
	[dreg:$0x1] =	wrdreg $0xFFFFFFFF  }
0xa8: {  	s28 =	simm.s32 $_size_execute0_lowered;
	s4 =	sadd.s32 s4, s6;
	[dreg:$0x0] =	wrdreg $0x0  }
0xa9: {  	s6 =	sshll.u32 s28, $0x1;
	[dreg:$0x2] =	wrdreg s4  }
0xaa: {  	[dreg:$0x3] =	wrdreg s6  }
0xab: {  	[dreg:$0x4] =	wrdreg $0xC0  }
0xac: {  	_ =	task [dreg:s8], $0x5FFFF  }
0xad: {  	[dreg:$0x1] =	wrdreg $0xFFFFFFFF  }
0xae: {  	[dreg:$0x0] =	wrdreg $0x60  }
0xaf: {  	[dreg:$0x2] =	wrdreg s2  }
0xb0: {  	[dreg:$0x3] =	wrdreg s24  }
0xb1: {  	[dreg:$0x4] =	wrdreg s18  }
0xb2: {  	[dreg:$0x5] =	wrdreg $0x9  }
0xb3: {  	_ =	task.clear_ibuf [dreg:s8], $0x6FFFF;
	_ =	strace $0x90000046  }
0xb4: {  	s29 =	simm.s32 $0x9;
	_ =	strace $0x80000048  }
0xb5: {  	_ =	swait.ge [sflag:s29], $0x1  }
0xb6: {  	[sflag:s29] =	ssyncadd.s32 $0xFFFFFFFF  }
0xb7: {  	_ =	strace $0x90000048  }
0xb8: {  	_ =	sfence  }
0xb9: {  	s30 =	sld [smem:$0x0];
	_ =	sdelay $0x2  }
0xba: {  	s31 =	sshll.u32 s1, $0xD;
	s1 =	sshrl.u32 s1, $0x2  }
0xbb: {  	s3 =	sand.u32 $0x4000, s31;
	s1 =	sadd.s32 s1, s30  }
0xbc: {  	s0 =	sor.u32 s3, s0;
	s1 =	sshll.u32 s1, $0x11  }
0xbd: {  	s0 =	sor.u32 s1, s0  }
0xbe: {  	s0 =	sadd.s32 $0x8F2B, s0  }
0xbf: {  	[sflag:s0] =	ssyncadd.remote.s32 $0x1  }
0xc0: {  	_ =	sfence.sel $0xFFFF  }
0xc1: {  	[dreg:$0x0] =	wrdreg $0xFFFFFFFF;
	(pc) =	sbr.abs _section_cstart, $3  }
0xc2: {  	[dreg:$0x1] =	wrdreg $0xFFFFFFFF  }
0xc3: {  	_ =	task.clear_ibuf [dreg:s8], $0x2FFFF;
	_ =	strace $0x9FFFFFFF  }
0xc4: {  	(tm) =	ssettm $0x7FFFFFFF  }
0xc5: {  	_ =	shalt  }
tec
execute0_lowered:
.L_overlay_start_1:
0x0: {  	(tag) =	ssettag $0x1  }
0x1: {  	s1 =	rddreg [dreg:$0x0]  }
0x2: {  	s0 =	srdreg.scid;
	s4 =	rddreg [dreg:$0x1]  }
0x3: {  	s10 =	stileid.u32;
	s5 =	rddreg [dreg:$0x2]  }
0x4: {  	s3 =	simm.s32 $0x0;
	s17 =	simm.s32 $0xB;
	s18 =	simm.s32 $0x80  }
0x5: {  	s19 =	simm.s32 $0x6400;
	s0 =	sand.u32 $0x1, s0;
	s2 =	sshll.u32 s10, $0x1  }
0x6: {  	s28 =	simm.s32 $0x16400;
	s25 =	smul.u32 $0xC8000, s10;
	s2 =	sor.u32 s0, s2  }
0x7: {  	s29 =	simm.s32 $0x2;
	s30 =	simm.s32 $0x6;
	s6 =	smul.u32 $0x6400, s2  }
0x8: {  	s31 =	simm.s32 $0x9;
	s8 =	ssub.s32 $0x2, s0;
	s7 =	smul.u32 $0x64000, s2  }
0x9: {  	[smem:$0x7FF] =	sst s3;
	s9 =	sshrl.u32 s8, $0x1;
	s2 =	smul.u32 $0x320000, s2  }
0xa: {  	_ =	strace $0x80000047;
	s0 =	smul.u32 $0x64000, s0;
	s20 =	ssub.s32 s8, s9  }
0xb: {  	s6 =	sshrl.u32 s6, $0x3;
	s2 =	sshrl.u32 s2, $0x3;
	s15 =	smax.u32 s20, $0x1  }
0xc: {  	s20 =	simm.s32 $0xA400;
	s6 =	sadd.s32 s6, s4;
	s4 =	sadd.s32 s5, s7  }
0xd: {  	s2 =	sadd.s32 s5, s2;
	s5 =	sadd.s32 s25, s5;
	s25 =	simm.s32 $0x1  }
0xe: {  	s6 =	sadd.s32 $0x400, s6;
	s21 =	sadd.s32 $0x800, s4;
	s22 =	sadd.s32 $0x1000, s4  }
0xf: {  	s23 =	sadd.s32 $0x1800, s4;
	s24 =	sadd.s32 $0x2000, s4;
	[dreg:$0x4] =	wrdreg s6  }
0x10: {  	s26 =	sadd.s32 $0x61800, s2;
	s11 =	sadd.s32 $0x62000, s2;
	[dreg:$0x5] =	wrdreg s21  }
0x11: {  	s12 =	sadd.s32 $0x62800, s2;
	s13 =	sadd.s32 $0x63000, s2;
	[dreg:$0x6] =	wrdreg s22  }
0x12: {  	s14 =	sadd.s32 $0x63800, s2;
	s0 =	sadd.s32 s0, s5;
	[dreg:$0x7] =	wrdreg s23  }
0x13: {  	s2 =	simm.s32 $0x3;
	s5 =	simm.s32 $0xA;
	[dreg:$0x8] =	wrdreg s24  }
0x14: {  	[dreg:$0x9] =	wrdreg s26;
	s16 =	sadd.s32 $0x4800, s0;
	s22 =	simm.s32 $0xE400  }
0x15: {  	s24 =	simm.s32 $0x12400;
	s0 =	simm.s32 $0x7;
	s23 =	simm.s32 $0x4  }
0x16: {  	s26 =	simm.s32 $0x8;
	s21 =	simm.s32 $0x5;
	s6 =	simm.s32 $0x0  }
.LBB2_1:
0x17: {  	s7 =	rddreg [dreg:$0x4]  }
0x18: {  	[tilespmem:s3], [sflag:$0xB] =	stream.linear.gather [hbm4b:s7+s3], $0x6400, $0x38;
	[tilespmem:$0x1A400] =	vst v63  }
0x19: {  	_ =	swait.ge [sflag:s17], $0x6400  }
0x1a: {  	[sflag:s17] =	ssyncset.done $0x0  }
0x1b: {  	[sflag:s17] =	ssyncadd.s32 $0xFFFF9C00  }
0x1c: {  	[tilespmem:s19], [sflag:$0x1] =	stream.indirect.gather [hbm4b:s1+s18], $0x80, s3, s18, $0xb8;
	[tilespmem:$0x1A400] =	vst v63  }
0x1d: {  	_ = 	snop  }
0x1e: {  	[tilespmem:s20], [sflag:$0x2] =	stream.indirect.gather [hbm4b:s1+s18], $0x80, s18, s18, $0xb8;
	[tilespmem:$0x1A400] =	vst v63  }
0x1f: {  	s10 =	simm.s32 $0x100  }
0x20: {  	[tilespmem:s22], [sflag:$0x3] =	stream.indirect.gather [hbm4b:s1+s18], $0x80, s10, s18, $0xb8;
	[tilespmem:$0x1A400] =	vst v63  }
0x21: {  	s8 =	simm.s32 $0x180  }
0x22: {  	[tilespmem:s24], [sflag:$0x4] =	stream.indirect.gather [hbm4b:s1+s18], $0x80, s8, s18, $0xb8;
	[tilespmem:$0x1A400] =	vst v63  }
0x23: {  	_ =	swait.ge [sflag:s25], $0x4000  }
0x24: {  	[sflag:s25] =	ssyncset.done $0x0  }
0x25: {  	[sflag:s25] =	ssyncadd.s32 $0xFFFFC000  }
0x26: {  	[hbm4b:s4+s3] =	stream.linear.scatter [tilespmem:s19], [sflag:$0x6], $0x4000, $0x38;
	[tilespmem:$0x1A400] =	vst v63  }
0x27: {  	s9 =	simm.s32 $0x200  }
0x28: {  	[tilespmem:s28], [sflag:$0x5] =	stream.indirect.gather [hbm4b:s1+s18], $0x80, s9, s18, $0xb8;
	[tilespmem:$0x1A400] =	vst v63  }
0x29: {  	_ =	swait.ge [sflag:s29], $0x4000  }
0x2a: {  	[sflag:s29] =	ssyncset.done $0x0  }
0x2b: {  	s10 =	rddreg [dreg:$0x5];
	[sflag:s29] =	ssyncadd.s32 $0xFFFFC000  }
0x2c: {  	[hbm4b:s10+s3] =	stream.linear.scatter [tilespmem:s20], [sflag:$0x7], $0x4000, $0x38;
	[tilespmem:$0x1A400] =	vst v63  }
0x2d: {  	_ =	swait.ge [sflag:s30], $0x4000  }
0x2e: {  	[sflag:s30] =	ssyncset.done $0x0  }
0x2f: {  	s8 =	simm.s32 $0x280;
	[sflag:s30] =	ssyncadd.s32 $0xFFFFC000  }
0x30: {  	[tilespmem:s19], [sflag:$0x1] =	stream.indirect.gather [hbm4b:s1+s18], $0x80, s8, s18, $0xb8;
	[tilespmem:$0x1A400] =	vst v63  }
0x31: {  	_ =	swait.ge [sflag:s2], $0x4000  }
0x32: {  	[sflag:s2] =	ssyncset.done $0x0  }
0x33: {  	s9 =	rddreg [dreg:$0x6];
	[sflag:s2] =	ssyncadd.s32 $0xFFFFC000  }
0x34: {  	[hbm4b:s9+s3] =	stream.linear.scatter [tilespmem:s22], [sflag:$0x8], $0x4000, $0x38;
	[tilespmem:$0x1A400] =	vst v63  }
0x35: {  	_ =	swait.ge [sflag:s0], $0x4000  }
0x36: {  	[sflag:s0] =	ssyncset.done $0x0  }
0x37: {  	s10 =	simm.s32 $0x300;
	[sflag:s0] =	ssyncadd.s32 $0xFFFFC000  }
0x38: {  	[tilespmem:s20], [sflag:$0x2] =	stream.indirect.gather [hbm4b:s1+s18], $0x80, s10, s18, $0xb8;
	[tilespmem:$0x1A400] =	vst v63  }
0x39: {  	_ =	swait.ge [sflag:s23], $0x4000  }
0x3a: {  	[sflag:s23] =	ssyncset.done $0x0  }
0x3b: {  	s8 =	rddreg [dreg:$0x7];
	[sflag:s23] =	ssyncadd.s32 $0xFFFFC000  }
0x3c: {  	[hbm4b:s8+s3] =	stream.linear.scatter [tilespmem:s24], [sflag:$0x9], $0x4000, $0x38;
	[tilespmem:$0x1A400] =	vst v63  }
0x3d: {  	_ =	swait.ge [sflag:s26], $0x4000  }
0x3e: {  	[sflag:s26] =	ssyncset.done $0x0  }
0x3f: {  	s9 =	simm.s32 $0x380;
	[sflag:s26] =	ssyncadd.s32 $0xFFFFC000  }
0x40: {  	[tilespmem:s22], [sflag:$0x3] =	stream.indirect.gather [hbm4b:s1+s18], $0x80, s9, s18, $0xb8;
	[tilespmem:$0x1A400] =	vst v63  }
0x41: {  	_ =	swait.ge [sflag:s21], $0x4000  }
0x42: {  	[sflag:s21] =	ssyncset.done $0x0  }
0x43: {  	s10 =	rddreg [dreg:$0x8];
	[sflag:s21] =	ssyncadd.s32 $0xFFFFC000  }
0x44: {  	[hbm4b:s10+s3] =	stream.linear.scatter [tilespmem:s28], [sflag:$0xA], $0x4000, $0x38;
	[tilespmem:$0x1A400] =	vst v63  }
0x45: {  	_ =	swait.ge [sflag:s31], $0x4000  }
0x46: {  	[sflag:s31] =	ssyncset.done $0x0  }
0x47: {  	s8 =	simm.s32 $0x400;
	[sflag:s31] =	ssyncadd.s32 $0xFFFFC000  }
0x48: {  	[tilespmem:s24], [sflag:$0x4] =	stream.indirect.gather [hbm4b:s1+s18], $0x80, s8, s18, $0xb8;
	[tilespmem:$0x1A400] =	vst v63  }
0x49: {  	_ =	swait.ge [sflag:s25], $0x4000  }
0x4a: {  	[sflag:s25] =	ssyncset.done $0x0  }
0x4b: {  	s9 =	sadd.s32 $0xFFFFE000, s16;
	[sflag:s25] =	ssyncadd.s32 $0xFFFFC000  }
0x4c: {  	[hbm4b:s9+s3] =	stream.linear.scatter [tilespmem:s19], [sflag:$0x6], $0x4000, $0x38;
	[tilespmem:$0x1A400] =	vst v63  }
0x4d: {  	_ =	swait.ge [sflag:s5], $0x4000  }
0x4e: {  	[sflag:s5] =	ssyncset.done $0x0  }
0x4f: {  	s10 =	simm.s32 $0x480;
	[sflag:s5] =	ssyncadd.s32 $0xFFFFC000  }
0x50: {  	[tilespmem:s28], [sflag:$0x5] =	stream.indirect.gather [hbm4b:s1+s18], $0x80, s10, s18, $0xb8;
	[tilespmem:$0x1A400] =	vst v63  }
0x51: {  	_ =	swait.ge [sflag:s29], $0x4000  }
0x52: {  	[sflag:s29] =	ssyncset.done $0x0  }
0x53: {  	s8 =	sadd.s32 $0xFFFFE800, s16;
	[sflag:s29] =	ssyncadd.s32 $0xFFFFC000  }
0x54: {  	[hbm4b:s8+s3] =	stream.linear.scatter [tilespmem:s20], [sflag:$0x7], $0x4000, $0x38;
	[tilespmem:$0x1A400] =	vst v63  }
0x55: {  	_ =	swait.ge [sflag:s30], $0x4000  }
0x56: {  	[sflag:s30] =	ssyncset.done $0x0  }
0x57: {  	s9 =	simm.s32 $0x500;
	[sflag:s30] =	ssyncadd.s32 $0xFFFFC000  }
0x58: {  	[tilespmem:s19], [sflag:$0x1] =	stream.indirect.gather [hbm4b:s1+s18], $0x80, s9, s18, $0xb8;
	[tilespmem:$0x1A400] =	vst v63  }
0x59: {  	_ =	swait.ge [sflag:s2], $0x4000  }
0x5a: {  	[sflag:s2] =	ssyncset.done $0x0  }
0x5b: {  	s10 =	sadd.s32 $0xFFFFF000, s16;
	[sflag:s2] =	ssyncadd.s32 $0xFFFFC000  }
0x5c: {  	[hbm4b:s10+s3] =	stream.linear.scatter [tilespmem:s22], [sflag:$0x8], $0x4000, $0x38;
	[tilespmem:$0x1A400] =	vst v63  }
0x5d: {  	_ =	swait.ge [sflag:s0], $0x4000  }
0x5e: {  	[sflag:s0] =	ssyncset.done $0x0  }
0x5f: {  	s8 =	simm.s32 $0x580;
	[sflag:s0] =	ssyncadd.s32 $0xFFFFC000  }
0x60: {  	[tilespmem:s20], [sflag:$0x2] =	stream.indirect.gather [hbm4b:s1+s18], $0x80, s8, s18, $0xb8;
	[tilespmem:$0x1A400] =	vst v63  }
0x61: {  	_ =	swait.ge [sflag:s23], $0x4000  }
0x62: {  	[sflag:s23] =	ssyncset.done $0x0  }
0x63: {  	s9 =	sadd.s32 $0xFFFFF800, s16;
	[sflag:s23] =	ssyncadd.s32 $0xFFFFC000  }
0x64: {  	[hbm4b:s9+s3] =	stream.linear.scatter [tilespmem:s24], [sflag:$0x9], $0x4000, $0x38;
	[tilespmem:$0x1A400] =	vst v63  }
0x65: {  	_ =	swait.ge [sflag:s26], $0x4000  }
0x66: {  	[sflag:s26] =	ssyncset.done $0x0  }
0x67: {  	s10 =	simm.s32 $0x600;
	[sflag:s26] =	ssyncadd.s32 $0xFFFFC000  }
0x68: {  	[tilespmem:s22], [sflag:$0x3] =	stream.indirect.gather [hbm4b:s1+s18], $0x80, s10, s18, $0xb8;
	[tilespmem:$0x1A400] =	vst v63  }
0x69: {  	_ =	swait.ge [sflag:s21], $0x4000  }
0x6a: {  	[sflag:s21] =	ssyncset.done $0x0  }
0x6b: {  	[sflag:s21] =	ssyncadd.s32 $0xFFFFC000  }
0x6c: {  	[hbm4b:s16+s3] =	stream.linear.scatter [tilespmem:s28], [sflag:$0xA], $0x4000, $0x38;
	[tilespmem:$0x1A400] =	vst v63  }
0x6d: {  	_ =	swait.ge [sflag:s31], $0x4000  }
0x6e: {  	s7 =	simm.s32 $0xA00;
	[sflag:s31] =	ssyncset.done $0x0  }
0x6f: {  	s8 =	sadd.s32 $0x2800, s16;
	s9 =	simm.s32 $0x680;
	[sflag:s31] =	ssyncadd.s32 $0xFFFFC000  }
.LBB2_2:
0x70: {  	[tilespmem:s24], [sflag:$0x4] =	stream.indirect.gather [hbm4b:s1+s18], $0x80, s9, s18, $0xb8;
	[tilespmem:$0x1A400] =	vst v63  }
0x71: {  	s9 =	smov.u32 s7  }
0x72: {  	p0 =	sne.s32 s7, $0x17200;
	s7 =	sadd.s32 $0xA00, s7;
	_ =	swait.ge [sflag:s25], $0x4000  }
0x73: {  	[sflag:s25] =	ssyncset.done $0x0  }
0x74: {  	s10 =	sadd.s32 $0xFFFFE000, s8;
	[sflag:s25] =	ssyncadd.s32 $0xFFFFC000  }
0x75: {  	[hbm4b:s10+s3] =	stream.linear.scatter [tilespmem:s19], [sflag:$0x6], $0x4000, $0x38;
	[tilespmem:$0x1A400] =	vst v63  }
0x76: {  	_ =	swait.ge [sflag:s5], $0x4000  }
0x77: {  	s9 =	sshra.s32 s9, $0x2;
	[sflag:s5] =	ssyncset.done $0x0  }
0x78: {  	s10 =	sadd.s32 $0x480, s9;
	[sflag:s5] =	ssyncadd.s32 $0xFFFFC000  }
0x79: {  	[tilespmem:s28], [sflag:$0x5] =	stream.indirect.gather [hbm4b:s1+s18], $0x80, s10, s18, $0xb8;
	[tilespmem:$0x1A400] =	vst v63  }
0x7a: {  	_ =	swait.ge [sflag:s29], $0x4000  }
0x7b: {  	[sflag:s29] =	ssyncset.done $0x0  }
0x7c: {  	s10 =	sadd.s32 $0xFFFFE800, s8;
	[sflag:s29] =	ssyncadd.s32 $0xFFFFC000  }
0x7d: {  	[hbm4b:s10+s3] =	stream.linear.scatter [tilespmem:s20], [sflag:$0x7], $0x4000, $0x38;
	[tilespmem:$0x1A400] =	vst v63  }
0x7e: {  	_ =	swait.ge [sflag:s30], $0x4000  }
0x7f: {  	[sflag:s30] =	ssyncset.done $0x0  }
0x80: {  	s10 =	sadd.s32 $0x500, s9;
	[sflag:s30] =	ssyncadd.s32 $0xFFFFC000  }
0x81: {  	[tilespmem:s19], [sflag:$0x1] =	stream.indirect.gather [hbm4b:s1+s18], $0x80, s10, s18, $0xb8;
	[tilespmem:$0x1A400] =	vst v63  }
0x82: {  	_ =	swait.ge [sflag:s2], $0x4000  }
0x83: {  	[sflag:s2] =	ssyncset.done $0x0  }
0x84: {  	s10 =	sadd.s32 $0xFFFFF000, s8;
	[sflag:s2] =	ssyncadd.s32 $0xFFFFC000  }
0x85: {  	[hbm4b:s10+s3] =	stream.linear.scatter [tilespmem:s22], [sflag:$0x8], $0x4000, $0x38;
	[tilespmem:$0x1A400] =	vst v63  }
0x86: {  	_ =	swait.ge [sflag:s0], $0x4000  }
0x87: {  	[sflag:s0] =	ssyncset.done $0x0  }
0x88: {  	s10 =	sadd.s32 $0x580, s9;
	[sflag:s0] =	ssyncadd.s32 $0xFFFFC000  }
0x89: {  	[tilespmem:s20], [sflag:$0x2] =	stream.indirect.gather [hbm4b:s1+s18], $0x80, s10, s18, $0xb8;
	[tilespmem:$0x1A400] =	vst v63  }
0x8a: {  	_ =	swait.ge [sflag:s23], $0x4000  }
0x8b: {  	[sflag:s23] =	ssyncset.done $0x0  }
0x8c: {  	s10 =	sadd.s32 $0xFFFFF800, s8;
	[sflag:s23] =	ssyncadd.s32 $0xFFFFC000  }
0x8d: {  	[hbm4b:s10+s3] =	stream.linear.scatter [tilespmem:s24], [sflag:$0x9], $0x4000, $0x38;
	[tilespmem:$0x1A400] =	vst v63  }
0x8e: {  	_ =	swait.ge [sflag:s26], $0x4000  }
0x8f: {  	[sflag:s26] =	ssyncset.done $0x0  }
0x90: {  	s10 =	sadd.s32 $0x600, s9;
	[sflag:s26] =	ssyncadd.s32 $0xFFFFC000  }
0x91: {  	[tilespmem:s22], [sflag:$0x3] =	stream.indirect.gather [hbm4b:s1+s18], $0x80, s10, s18, $0xb8;
	[tilespmem:$0x1A400] =	vst v63  }
0x92: {  	_ =	swait.ge [sflag:s21], $0x4000  }
0x93: {  	[sflag:s21] =	ssyncset.done $0x0  }
.Ltmp0:
0x94: {  	[sflag:s21] =	ssyncadd.s32 $0xFFFFC000;
	(pc) =	sbr.rel @p0 .LBB2_2-.Ltmp0, $4  }
0x95: {  	[hbm4b:s8+s3] =	stream.linear.scatter [tilespmem:s28], [sflag:$0xA], $0x4000, $0x38;
	[tilespmem:$0x1A400] =	vst v63  }
0x96: {  	_ =	swait.ge [sflag:s31], $0x4000  }
0x97: {  	[sflag:s31] =	ssyncset.done $0x0  }
0x98: {  	s9 =	sadd.s32 $0x680, s9;
	s8 =	sadd.s32 $0x2800, s8;
	[sflag:s31] =	ssyncadd.s32 $0xFFFFC000  }
0x99: {  	[tilespmem:s24], [sflag:$0x4] =	stream.indirect.gather [hbm4b:s1+s18], $0x80, s9, s18, $0xb8;
	[tilespmem:$0x1A400] =	vst v63  }
0x9a: {  	_ =	swait.ge [sflag:s25], $0x4000  }
0x9b: {  	[sflag:s25] =	ssyncset.done $0x0  }
0x9c: {  	s7 =	rddreg [dreg:$0x9];
	[sflag:s25] =	ssyncadd.s32 $0xFFFFC000  }
0x9d: {  	[hbm4b:s7+s3] =	stream.linear.scatter [tilespmem:s19], [sflag:$0x6], $0x4000, $0x38;
	[tilespmem:$0x1A400] =	vst v63  }
0x9e: {  	_ =	swait.ge [sflag:s5], $0x4000  }
0x9f: {  	[sflag:s5] =	ssyncset.done $0x0  }
0xa0: {  	s10 =	simm.s32 $0x6380;
	[sflag:s5] =	ssyncadd.s32 $0xFFFFC000  }
0xa1: {  	[tilespmem:s28], [sflag:$0x5] =	stream.indirect.gather [hbm4b:s1+s18], $0x80, s10, s18, $0xb8;
	[tilespmem:$0x1A400] =	vst v63  }
0xa2: {  	_ =	swait.ge [sflag:s29], $0x4000  }
0xa3: {  	[sflag:s29] =	ssyncset.done $0x0  }
0xa4: {  	[sflag:s29] =	ssyncadd.s32 $0xFFFFC000  }
0xa5: {  	[hbm4b:s11+s3] =	stream.linear.scatter [tilespmem:s20], [sflag:$0x7], $0x4000, $0x38;
	[tilespmem:$0x1A400] =	vst v63  }
0xa6: {  	_ =	swait.ge [sflag:s2], $0x4000  }
0xa7: {  	[sflag:s2] =	ssyncset.done $0x0  }
0xa8: {  	[sflag:s2] =	ssyncadd.s32 $0xFFFFC000  }
0xa9: {  	[hbm4b:s12+s3] =	stream.linear.scatter [tilespmem:s22], [sflag:$0x8], $0x4000, $0x38;
	[tilespmem:$0x1A400] =	vst v63  }
0xaa: {  	_ =	swait.ge [sflag:s23], $0x4000  }
0xab: {  	[sflag:s23] =	ssyncset.done $0x0  }
0xac: {  	[sflag:s23] =	ssyncadd.s32 $0xFFFFC000  }
0xad: {  	[hbm4b:s13+s3] =	stream.linear.scatter [tilespmem:s24], [sflag:$0x9], $0x4000, $0x38;
	[tilespmem:$0x1A400] =	vst v63  }
0xae: {  	_ =	swait.ge [sflag:s21], $0x4000  }
0xaf: {  	[sflag:s21] =	ssyncset.done $0x0  }
0xb0: {  	[sflag:s21] =	ssyncadd.s32 $0xFFFFC000  }
0xb1: {  	[hbm4b:s14+s3] =	stream.linear.scatter [tilespmem:s28], [sflag:$0xA], $0x4000, $0x38;
	[tilespmem:$0x1A400] =	vst v63  }
0xb2: {  	_ =	swait.ge [sflag:s30], $0x4000  }
0xb3: {  	[sflag:s30] =	ssyncset.done $0x0  }
0xb4: {  	[sflag:s30] =	ssyncadd.s32 $0xFFFFC000  }
0xb5: {  	_ =	swait.ge [sflag:s0], $0x4000  }
0xb6: {  	[sflag:s0] =	ssyncset.done $0x0  }
0xb7: {  	[sflag:s0] =	ssyncadd.s32 $0xFFFFC000  }
0xb8: {  	_ =	swait.ge [sflag:s26], $0x4000  }
0xb9: {  	[sflag:s26] =	ssyncset.done $0x0  }
0xba: {  	s6 =	sadd.s32 $0x1, s6;
	[sflag:s26] =	ssyncadd.s32 $0xFFFFC000  }
0xbb: {  	p0 =	sne.s32 s6, s15;
	_ =	swait.ge [sflag:s31], $0x4000  }
.Ltmp1:
0xbc: {  	[sflag:s31] =	ssyncset.done $0x0;
	(pc) =	sbr.rel @p0 .LBB2_1-.Ltmp1, $4  }
0xbd: {  	[sflag:s31] =	ssyncadd.s32 $0xFFFFC000  }
0xbe: {  	_ =	swait.ge [sflag:s5], $0x4000  }
0xbf: {  	[sflag:s5] =	ssyncset.done $0x0  }
0xc0: {  	[sflag:s5] =	ssyncadd.s32 $0xFFFFC000  }
0xc1: {  	_ =	sfence.sel $0x180000  }
0xc2: {  	[bflag:$0x0] =	sbarrier.arrive $0xFFFF  }
0xc3: {  	_ =	strace $0x90000047  }
0xc4: {  	s0 =	stileid.u32;
	[bflag:$0x2] =	sbarrier.arrive $0xFFFF  }
0xc5: {  	p0 =	sne.s32 s0, $0x0;
	s0 =	rddreg [dreg:$0x3]  }
0xc6: {  	s0 =	sadd.s32 @!p0 $0x100000, s0  }
0xc7: {  	[sflag:s0] =	ssyncadd.tile.s32 @!p0 $0x1;
	_ =	shalt  }
.Lfunc_end2:
_tile_overlayer_lowered:
.L_overlay_start_2:
0xc8: {  	(tag) =	ssettag $0x2  }
0xc9: {  	s0 =	rddreg [dreg:$0x0];
	s2 =	stileid.u32  }
0xca: {  	s1 =	rddreg [dreg:$0x1];
	p0 =	sne.s32 s2, $0x0  }
0xcb: {  	s3 =	rddreg [dreg:$0x2];
	[bflag:$0x3] =	sbarrier.arrive $0xFFFF;
	s2 =	simm.s32 @!p0 $0x1C0B  }
0xcc: {  	[timem:s3], [sflag:s2] =	dma.local @!p0 [hbm:s0], s1  }
0xcd: {  	s0 =	simm.s32 @!p0 $0xB  }
0xce: {  	_ =	swait.ge @!p0 [sflag:s0], s1  }
0xcf: {  	s1 =	ssub.s32 @!p0 $0x0, s1;
	[sflag:s0] =	ssyncset.done @!p0 $0x0  }
0xd0: {  	[sflag:s0] =	ssyncadd.s32 @!p0 s1  }
0xd1: {  	[bflag:$0x3] =	sbarrier.arrive $0xFFFF  }
0xd2: {  	_ =	shalt  }

</sc_bundles>
